<compile_context>
chip_gen: v7x
topology: tpu7x:2x2x1
jax: 0.10.2.dev20260603
libtpu: 0.0.44.dev20260713+nightly
codegen_flags: <defaults>
</compile_context>

<pallas_src>
import functools

import jax
import jax.numpy as jnp
from jax.experimental import pallas as pl


def _fkey(x):
    i = jax.lax.bitcast_convert_type(x, jnp.int32)
    return jnp.where(i >= 0, i, i ^ jnp.int32(0x7FFFFFFF))


def _score_kernel(a_ref, g_ref, gt_ref, awi_ref, dcol_ref, drow_ref,
                  rmrow_ref, rmcol_ref, srm_ref, sin_ref, ksum_ref):
    ti = pl.program_id(0)
    a = a_ref[...]
    rows = ti * a.shape[0] + jax.lax.broadcasted_iota(jnp.int32, a.shape, 0)
    cols = jax.lax.broadcasted_iota(jnp.int32, a.shape, 1)
    lower = rows > cols
    d_i = dcol_ref[...]
    d_j = drow_ref[...]
    f32 = jnp.float32
    bf = lambda x: x.astype(jnp.bfloat16).astype(f32)
    dbi, dbj = bf(d_i), bf(d_j)
    egn = bf(dbi * bf(g_ref[...])) * dbj
    egn_t = bf(dbj * bf(gt_ref[...])) * dbi
    srm = a * (rmrow_ref[...] * egn_t)
    sin = egn * (awi_ref[...] - a)
    srm_ref[...] = jnp.where(lower, srm, jnp.float32(jnp.inf))
    sin_ref[...] = jnp.where(lower, sin, -jnp.float32(jnp.inf))
    part = jnp.sum(a * rmcol_ref[...])

    @pl.when(ti == 0)
    def _init():
        ksum_ref[...] = jnp.zeros((1, 1), jnp.float32)

    ksum_ref[...] = ksum_ref[...] + part


def _select_kernel(scores_ref, k_ref, out_ref, rem_ref, *, negate):
    x = scores_ref[...]
    if negate:
        x = -x
    keys = _fkey(x)
    k = k_ref[0, 0]

    def body(_, carry):
        lo, hi = carry
        mid = (lo & hi) + ((lo ^ hi) >> 1)
        cnt = jnp.sum((keys <= mid).astype(jnp.int32))
        pred = cnt >= k
        return (jnp.where(pred, lo, mid + jnp.int32(1)),
                jnp.where(pred, mid, hi))

    _, hi = jax.lax.fori_loop(
        0, 32, body,
        (jnp.int32(jnp.iinfo(jnp.int32).min), jnp.int32(jnp.iinfo(jnp.int32).max)))
    out_ref[...] = jnp.broadcast_to(hi, (1, 1))
    cnt_lt = jnp.sum((keys < hi).astype(jnp.int32))
    rem_ref[...] = jnp.broadcast_to(k - cnt_lt, (1, 1))


def _prefix_exc(x, axis):
    n = x.shape[axis]
    s = x
    k = 1
    while k < n:
        zshape = list(x.shape)
        zshape[axis] = k
        z = jnp.zeros(zshape, x.dtype)
        shifted = jnp.concatenate(
            [z, jax.lax.slice_in_dim(s, 0, n - k, axis=axis)], axis=axis)
        s = s + shifted
        k *= 2
    return s - x


def _tie_mask(keys, kkey, rem, carry_ref):
    eq = (keys == kkey).astype(jnp.int32)
    within = _prefix_exc(eq, 1)
    rowsum = jnp.sum(eq, axis=1, keepdims=True)
    rowpre = _prefix_exc(rowsum, 0)
    tie_rank = carry_ref[0, 0] + rowpre + within
    mask = (keys < kkey) | ((eq > 0) & (tie_rank < rem))
    carry_ref[...] = carry_ref[...] + jnp.sum(eq)
    return mask


def _assemble_kernel(srm_ref, sin_ref, a_ref, krm_ref, rrm_ref, kin_ref,
                     rin_ref, out_ref, crm_ref, cin_ref):
    ti = pl.program_id(0)

    @pl.when(ti == 0)
    def _init():
        crm_ref[...] = jnp.zeros((1, 1), jnp.int32)
        cin_ref[...] = jnp.zeros((1, 1), jnp.int32)

    a = a_ref[...]
    rows = ti * a.shape[0] + jax.lax.broadcasted_iota(jnp.int32, a.shape, 0)
    cols = jax.lax.broadcasted_iota(jnp.int32, a.shape, 1)
    lower = rows > cols
    ins = _tie_mask(_fkey(-sin_ref[...]), kin_ref[0, 0], rin_ref[0, 0], cin_ref)
    rem = _tie_mask(_fkey(srm_ref[...]), krm_ref[0, 0], rrm_ref[0, 0], crm_ref)
    v = jnp.where(ins, jnp.float32(1.0),
                  jnp.where(rem, jnp.float32(0.0), a))
    out_ref[...] = jnp.where(lower, v, jnp.float32(0.0))


def kernel(ori_adj, d_mtr, edge_gradient, adj_with_insert, batch_users_unique,
           tril_idx0, tril_idx1):
    n = ori_adj.shape[0]
    b = batch_users_unique.shape[0]
    k_ins = max(int(0.001 * b * (b - 1) / 2), 1)

    d = jnp.diagonal(d_mtr)
    row_mask = jnp.zeros((n,), ori_adj.dtype).at[batch_users_unique].set(1.0)
    gt = edge_gradient.T
    d_col = d.reshape(n, 1)
    d_row = d.reshape(1, n)
    rm_col = row_mask.reshape(n, 1)
    rm_row = row_mask.reshape(1, n)

    tile = 256
    grid = n // tile
    row_spec = pl.BlockSpec((tile, n), lambda i: (i, 0))
    colvec_spec = pl.BlockSpec((tile, 1), lambda i: (i, 0))
    rowvec_spec = pl.BlockSpec((1, n), lambda i: (0, 0))
    scalar_spec = pl.BlockSpec((1, 1), lambda i: (0, 0))
    f32 = jnp.float32

    srm, sin, ksum = pl.pallas_call(
        _score_kernel,
        grid=(grid,),
        in_specs=[row_spec, row_spec, row_spec, row_spec,
                  colvec_spec, rowvec_spec, rowvec_spec, colvec_spec],
        out_specs=[row_spec, row_spec, scalar_spec],
        out_shape=[jax.ShapeDtypeStruct((n, n), f32),
                   jax.ShapeDtypeStruct((n, n), f32),
                   jax.ShapeDtypeStruct((1, 1), f32)],
    )(ori_adj, edge_gradient, gt, adj_with_insert, d_col, d_row, rm_row, rm_col)

    k_rm = jnp.maximum(
        jnp.floor(jnp.float32(0.1) * ksum[0, 0]).astype(jnp.int32), 1
    ).reshape(1, 1)
    k_in = jnp.full((1, 1), k_ins, jnp.int32)

    key_shape = [jax.ShapeDtypeStruct((1, 1), jnp.int32),
                 jax.ShapeDtypeStruct((1, 1), jnp.int32)]
    krm_key, r_rm = pl.pallas_call(
        functools.partial(_select_kernel, negate=False),
        out_shape=key_shape,
    )(srm, k_rm)
    kin_key, r_in = pl.pallas_call(
        functools.partial(_select_kernel, negate=True),
        out_shape=key_shape,
    )(sin, k_in)

    v, _, _ = pl.pallas_call(
        _assemble_kernel,
        grid=(grid,),
        in_specs=[row_spec, row_spec, row_spec,
                  scalar_spec, scalar_spec, scalar_spec, scalar_spec],
        out_specs=[row_spec, scalar_spec, scalar_spec],
        out_shape=[jax.ShapeDtypeStruct((n, n), f32),
                   jax.ShapeDtypeStruct((1, 1), jnp.int32),
                   jax.ShapeDtypeStruct((1, 1), jnp.int32)],
    )(srm, sin, ori_adj, krm_key, r_rm, kin_key, r_in)

    return v + v.T

# --- scband reference (transcript-rebuilt; emitter-appended) ---
"""Pipeline reference for scband-groc-loss-9646496547521 (READ-ONLY COPY).

The authoritative reference and input builder live on the scoring server;
editing this copy changes nothing except your own understanding.
"""

import jax, jax.numpy as jnp
import numpy as np

N = 2048
B = 512
REMOVE_PROB = 0.1
INSERT_PROB = 0.001

def setup_inputs(seed: int = 0):
    key = jax.random.key(seed)
    k1, k2, k3 = jax.random.split(key, 3)
    a = (jax.random.uniform(k1, (N, N)) < 0.01).astype(jnp.float32)
    ori_adj = jnp.triu(a, 1)
    ori_adj = ori_adj + ori_adj.T
    deg = ori_adj.sum(axis=1)
    d = 1.0 / jnp.sqrt(deg + 1.0)
    d_mtr = jnp.diag(d).astype(jnp.float32)
    edge_gradient = jax.random.normal(k2, (N, N), dtype=jnp.float32)
    ins = (jax.random.uniform(k3, (N, N)) < 0.005).astype(jnp.float32)
    ins = jnp.triu(ins, 1)
    ins = ins + ins.T
    adj_with_insert = jnp.clip(ori_adj + ins * 0.01, 0.0, 1.0)
    r, c = np.tril_indices(N, -1)
    tril_idx0 = jnp.asarray(r, dtype=jnp.int32)
    tril_idx1 = jnp.asarray(c, dtype=jnp.int32)
    rng = np.random.default_rng(0)
    batch_users_unique = jnp.asarray(rng.choice(N, size=B, replace=False), dtype=jnp.int32)
    return {"ori_adj": ori_adj, "d_mtr": d_mtr, "edge_gradient": edge_gradient, "adj_with_insert": adj_with_insert, "batch_users_unique": batch_users_unique, "tril_idx0": tril_idx0, "tril_idx1": tril_idx1}

def reference(ori_adj, d_mtr, edge_gradient, adj_with_insert, batch_users_unique, tril_idx0, tril_idx1):
    n = ori_adj.shape[0]
    # k_remove = int(remove_prob * ori_adj[batch_users_unique].sum())
    k_remove = jnp.maximum(jnp.floor(REMOVE_PROB * ori_adj[batch_users_unique].sum()).astype(jnp.int32), 1)
    b = batch_users_unique.shape[0]
    k_insert = max(int(INSERT_PROB * b * (b - 1) / 2), 1)
    # batch_nodes_in_matrix: diagonal selector -> row mask over batch nodes
    row_mask = jnp.zeros((n,), dtype=ori_adj.dtype).at[batch_users_unique].set(1.0)
    # edge_gradient_remove_norm = D @ G @ D (dense, compute-heavy)
    egn = jnp.matmul(d_mtr, edge_gradient)
    egn = jnp.matmul(egn, d_mtr)
    # remove scores over upper triangle gathered via [tril1, tril0]
    edge_gradient_remove = (ori_adj * (row_mask[:, None] * egn))[tril_idx1, tril_idx0]
    m = edge_gradient_remove.shape[0]
    order_rm = jnp.argsort(edge_gradient_remove)  # stable ascending = largest of negated, ties by index
    rank_rm = jnp.zeros((m,), dtype=jnp.int32).at[order_rm].set(jnp.arange(m, dtype=jnp.int32))
    remove_mask = rank_rm < k_remove
    low = ori_adj[tril_idx0, tril_idx1]
    up = ori_adj[tril_idx1, tril_idx0]
    low = jnp.where(remove_mask, jnp.float32(0.0), low)
    up = jnp.where(remove_mask, jnp.float32(0.0), up)
    edge_gradient_insert = (egn * (adj_with_insert - ori_adj))[tril_idx0, tril_idx1]
    _, indices_ir = jax.lax.top_k(edge_gradient_insert, k_insert)
    low = low.at[indices_ir].set(1.0)
    up = up.at[indices_ir].set(1.0)
    adj = ori_adj.at[tril_idx0, tril_idx1].set(low)
    adj = adj.at[tril_idx1, tril_idx0].set(up)
    return adj

if __name__ == "__main__":
    import jax
    _d = setup_inputs()
    print(jax.jit(kernel)(*tuple(_d.values())))

</pallas_src>

<mosaic_0001>
module attributes {stable_mosaic.version = 14 : i64} {
  func.func @_score_kernel(%arg0: i32, %arg1: memref<256x2048xf32, #tpu.memory_space<vmem>>, %arg2: memref<256x2048xf32, #tpu.memory_space<vmem>>, %arg3: memref<256x2048xf32, #tpu.memory_space<vmem>>, %arg4: memref<256x2048xf32, #tpu.memory_space<vmem>>, %arg5: memref<256x1xf32, #tpu.memory_space<vmem>>, %arg6: memref<1x2048xf32, #tpu.memory_space<vmem>>, %arg7: memref<1x2048xf32, #tpu.memory_space<vmem>>, %arg8: memref<256x1xf32, #tpu.memory_space<vmem>>, %arg9: memref<256x2048xf32, #tpu.memory_space<vmem>>, %arg10: memref<256x2048xf32, #tpu.memory_space<vmem>>, %arg11: memref<1x1xf32, #tpu.memory_space<vmem>>) attributes {dimension_semantics = [#tpu.dimension_semantics<arbitrary>], iteration_bounds = array<i64: 8>, scalar_prefetch = 0 : i64, scratch_operands = 0 : i64, tpu.core_type = #tpu.core_type<tc>, window_params = [{transform_indices = @transform_0, window_bounds = array<i64: 256, 2048>}, {transform_indices = @transform_1, window_bounds = array<i64: 256, 2048>}, {transform_indices = @transform_2, window_bounds = array<i64: 256, 2048>}, {transform_indices = @transform_3, window_bounds = array<i64: 256, 2048>}, {transform_indices = @transform_4, window_bounds = array<i64: 256, 1>}, {pipeline_mode = #tpu.pipeline_mode<synchronous>, transform_indices = @transform_5, window_bounds = array<i64: 1, 2048>}, {pipeline_mode = #tpu.pipeline_mode<synchronous>, transform_indices = @transform_6, window_bounds = array<i64: 1, 2048>}, {transform_indices = @transform_7, window_bounds = array<i64: 256, 1>}, {transform_indices = @transform_8, window_bounds = array<i64: 256, 2048>}, {transform_indices = @transform_9, window_bounds = array<i64: 256, 2048>}, {pipeline_mode = #tpu.pipeline_mode<synchronous>, transform_indices = @transform_10, window_bounds = array<i64: 1, 1>}]} {
    %get3A = arith.constant 0 : index
    %get3A_0 = arith.constant 0 : index
    %get3A_1 = vector.load %arg1[%get3A, %get3A_0] : memref<256x2048xf32, #tpu.memory_space<vmem>>, vector<256x2048xf32>
    %mul3A = arith.constant 256 : i32
    %mul3A_2 = arith.muli %arg0, %mul3A : i32
    %iota3A = tpu.iota {dimensions = array<i32: 0>} : vector<256x2048xi32>
    %add3A = vector.broadcast %mul3A_2 : i32 to vector<256x2048xi32>
    %add3A_3 = arith.addi %add3A, %iota3A : vector<256x2048xi32>
    %iota3A_4 = tpu.iota {dimensions = array<i32: 1>} : vector<256x2048xi32>
    %gt3A = arith.cmpi sgt, %add3A_3, %iota3A_4 : vector<256x2048xi32>
    %get3A_5 = arith.constant 0 : index
    %get3A_6 = arith.constant 0 : index
    %get3A_7 = vector.load %arg5[%get3A_5, %get3A_6] : memref<256x1xf32, #tpu.memory_space<vmem>>, vector<256x1xf32>
    %get3A_8 = arith.constant 0 : index
    %get3A_9 = arith.constant 0 : index
    %get3A_10 = vector.load %arg6[%get3A_8, %get3A_9] : memref<1x2048xf32, #tpu.memory_space<vmem>>, vector<1x2048xf32>
    %convert_element_type3A = arith.truncf %get3A_7 : vector<256x1xf32> to vector<256x1xbf16>
    %convert_element_type3A_11 = arith.extf %convert_element_type3A : vector<256x1xbf16> to vector<256x1xf32>
    %convert_element_type3A_12 = arith.truncf %get3A_10 : vector<1x2048xf32> to vector<1x2048xbf16>
    %convert_element_type3A_13 = arith.extf %convert_element_type3A_12 : vector<1x2048xbf16> to vector<1x2048xf32>
    %get3A_14 = arith.constant 0 : index
    %get3A_15 = arith.constant 0 : index
    %get3A_16 = vector.load %arg2[%get3A_14, %get3A_15] : memref<256x2048xf32, #tpu.memory_space<vmem>>, vector<256x2048xf32>
    %convert_element_type3A_17 = arith.truncf %get3A_16 : vector<256x2048xf32> to vector<256x2048xbf16>
    %convert_element_type3A_18 = arith.extf %convert_element_type3A_17 : vector<256x2048xbf16> to vector<256x2048xf32>
    %mul3A_19 = vector.broadcast %convert_element_type3A_11 : vector<256x1xf32> to vector<256x2048xf32>
    %mul3A_20 = arith.mulf %mul3A_19, %convert_element_type3A_18 : vector<256x2048xf32>
    %convert_element_type3A_21 = arith.truncf %mul3A_20 : vector<256x2048xf32> to vector<256x2048xbf16>
    %convert_element_type3A_22 = arith.extf %convert_element_type3A_21 : vector<256x2048xbf16> to vector<256x2048xf32>
    %mul3A_23 = vector.broadcast %convert_element_type3A_13 : vector<1x2048xf32> to vector<256x2048xf32>
    %mul3A_24 = arith.mulf %convert_element_type3A_22, %mul3A_23 : vector<256x2048xf32>
    %get3A_25 = arith.constant 0 : index
    %get3A_26 = arith.constant 0 : index
    %get3A_27 = vector.load %arg3[%get3A_25, %get3A_26] : memref<256x2048xf32, #tpu.memory_space<vmem>>, vector<256x2048xf32>
    %convert_element_type3A_28 = arith.truncf %get3A_27 : vector<256x2048xf32> to vector<256x2048xbf16>
    %convert_element_type3A_29 = arith.extf %convert_element_type3A_28 : vector<256x2048xbf16> to vector<256x2048xf32>
    %mul3A_30 = vector.broadcast %convert_element_type3A_13 : vector<1x2048xf32> to vector<256x2048xf32>
    %mul3A_31 = arith.mulf %mul3A_30, %convert_element_type3A_29 : vector<256x2048xf32>
    %convert_element_type3A_32 = arith.truncf %mul3A_31 : vector<256x2048xf32> to vector<256x2048xbf16>
    %convert_element_type3A_33 = arith.extf %convert_element_type3A_32 : vector<256x2048xbf16> to vector<256x2048xf32>
    %mul3A_34 = vector.broadcast %convert_element_type3A_11 : vector<256x1xf32> to vector<256x2048xf32>
    %mul3A_35 = arith.mulf %convert_element_type3A_33, %mul3A_34 : vector<256x2048xf32>
    %get3A_36 = arith.constant 0 : index
    %get3A_37 = arith.constant 0 : index
    %get3A_38 = vector.load %arg7[%get3A_36, %get3A_37] : memref<1x2048xf32, #tpu.memory_space<vmem>>, vector<1x2048xf32>
    %mul3A_39 = vector.broadcast %get3A_38 : vector<1x2048xf32> to vector<256x2048xf32>
    %mul3A_40 = arith.mulf %mul3A_39, %mul3A_35 : vector<256x2048xf32>
    %mul3A_41 = arith.mulf %get3A_1, %mul3A_40 : vector<256x2048xf32>
    %get3A_42 = arith.constant 0 : index
    %get3A_43 = arith.constant 0 : index
    %get3A_44 = vector.load %arg4[%get3A_42, %get3A_43] : memref<256x2048xf32, #tpu.memory_space<vmem>>, vector<256x2048xf32>
    %sub3A = arith.subf %get3A_44, %get3A_1 : vector<256x2048xf32>
    %mul3A_45 = arith.mulf %mul3A_24, %sub3A : vector<256x2048xf32>
    %jit3A = arith.constant 0x7F800000 : f32
    %broadcast_in_dim3A = vector.broadcast %jit3A : f32 to vector<256x2048xf32>
    %select_n3A = arith.select %gt3A, %mul3A_41, %broadcast_in_dim3A : vector<256x2048xi1>, vector<256x2048xf32>
    %swap3A = arith.constant 0 : index
    %swap3A_46 = arith.constant 0 : index
    %swap3A_47 = vector.load %arg9[%swap3A, %swap3A_46] : memref<256x2048xf32, #tpu.memory_space<vmem>>, vector<256x2048xf32>
    tpu.vector_store %arg9[%swap3A, %swap3A_46], %select_n3A {strides = array<i32>} : memref<256x2048xf32, #tpu.memory_space<vmem>>, vector<256x2048xf32>,
    %neg3A = arith.constant 0.000000e+00 : f32
    %neg3A_48 = arith.constant 0x7F800000 : f32
    %neg3A_49 = arith.subf %neg3A, %neg3A_48 : f32
    %broadcast_in_dim3A_50 = vector.broadcast %neg3A_49 : f32 to vector<256x2048xf32>
    %select_n3A_51 = arith.select %gt3A, %mul3A_45, %broadcast_in_dim3A_50 : vector<256x2048xi1>, vector<256x2048xf32>
    %swap3A_52 = arith.constant 0 : index
    %swap3A_53 = arith.constant 0 : index
    %swap3A_54 = vector.load %arg10[%swap3A_52, %swap3A_53] : memref<256x2048xf32, #tpu.memory_space<vmem>>, vector<256x2048xf32>
    tpu.vector_store %arg10[%swap3A_52, %swap3A_53], %select_n3A_51 {strides = array<i32>} : memref<256x2048xf32, #tpu.memory_space<vmem>>, vector<256x2048xf32>,
    %get3A_55 = arith.constant 0 : index
    %get3A_56 = arith.constant 0 : index
    %get3A_57 = vector.load %arg8[%get3A_55, %get3A_56] : memref<256x1xf32, #tpu.memory_space<vmem>>, vector<256x1xf32>
    %mul3A_58 = vector.broadcast %get3A_57 : vector<256x1xf32> to vector<256x2048xf32>
    %mul3A_59 = arith.mulf %get3A_1, %mul3A_58 : vector<256x2048xf32>
    %reduce_sum3A = vector.shape_cast %mul3A_59 : vector<256x2048xf32> to vector<1x256x2048xf32>
    %reduce_sum3A_60 = arith.constant dense<0.000000e+00> : vector<1xf32>
    %reduce_sum3A_61 = vector.multi_reduction <add>, %reduce_sum3A, %reduce_sum3A_60 [1, 2] : vector<1x256x2048xf32> to vector<1xf32>
    %reduce_sum3A_62 = vector.shape_cast %reduce_sum3A_61 : vector<1xf32> to vector<1x1x1xf32>
    %reduce_sum3A_63 = vector.extract %reduce_sum3A_62[0, 0, 0] : f32 from vector<1x1x1xf32>
    %eq3A = arith.constant 0 : i32
    %eq3A_64 = arith.cmpi eq, %arg0, %eq3A : i32
    %convert_element_type3A_65 = arith.extui %eq3A_64 : i1 to i32
    %cond3A = arith.constant 0 : i32
    %cond3A_66 = arith.cmpi ne, %convert_element_type3A_65, %cond3A : i32
    scf.if %cond3A_66 {
      %broadcast_in_dim3A_75 = arith.constant 0.000000e+00 : f32
      %broadcast_in_dim3A_76 = vector.broadcast %broadcast_in_dim3A_75 : f32 to vector<1x1xf32>
      %swap3A_77 = arith.constant 0 : index
      %swap3A_78 = arith.constant 0 : index
      %swap3A_79 = vector.load %arg11[%swap3A_77, %swap3A_78] : memref<1x1xf32, #tpu.memory_space<vmem>>, vector<1x1xf32>
      tpu.vector_store %arg11[%swap3A_77, %swap3A_78], %broadcast_in_dim3A_76 {strides = array<i32>} : memref<1x1xf32, #tpu.memory_space<vmem>>, vector<1x1xf32>,
    } else {
    }
    %get3A_67 = arith.constant 0 : index
    %get3A_68 = arith.constant 0 : index
    %get3A_69 = vector.load %arg11[%get3A_67, %get3A_68] : memref<1x1xf32, #tpu.memory_space<vmem>>, vector<1x1xf32>
    %add3A_70 = vector.broadcast %reduce_sum3A_63 : f32 to vector<1x1xf32>
    %add3A_71 = arith.addf %get3A_69, %add3A_70 : vector<1x1xf32>
    %swap3A_72 = arith.constant 0 : index
    %swap3A_73 = arith.constant 0 : index
    %swap3A_74 = vector.load %arg11[%swap3A_72, %swap3A_73] : memref<1x1xf32, #tpu.memory_space<vmem>>, vector<1x1xf32>
    tpu.vector_store %arg11[%swap3A_72, %swap3A_73], %add3A_71 {strides = array<i32>} : memref<1x1xf32, #tpu.memory_space<vmem>>, vector<1x1xf32>,
    return
  }
  func.func @transform_0(%arg0: i32) -> (i32, i32) {
    %c0_i32 = arith.constant 0 : i32
    %c0_i32_0 = arith.constant 0 : i32
    return %arg0, %c0_i32 : i32, i32
  }
  func.func @transform_1(%arg0: i32) -> (i32, i32) {
    %c0_i32 = arith.constant 0 : i32
    %c0_i32_0 = arith.constant 0 : i32
    return %arg0, %c0_i32 : i32, i32
  }
  func.func @transform_2(%arg0: i32) -> (i32, i32) {
    %c0_i32 = arith.constant 0 : i32
    %c0_i32_0 = arith.constant 0 : i32
    return %arg0, %c0_i32 : i32, i32
  }
  func.func @transform_3(%arg0: i32) -> (i32, i32) {
    %c0_i32 = arith.constant 0 : i32
    %c0_i32_0 = arith.constant 0 : i32
    return %arg0, %c0_i32 : i32, i32
  }
  func.func @transform_4(%arg0: i32) -> (i32, i32) {
    %c0_i32 = arith.constant 0 : i32
    %c0_i32_0 = arith.constant 0 : i32
    return %arg0, %c0_i32 : i32, i32
  }
  func.func @transform_5(%arg0: i32) -> (i32, i32) {
    %c0_i32 = arith.constant 0 : i32
    %c0_i32_0 = arith.constant 0 : i32
    %c0_i32_1 = arith.constant 0 : i32
    return %c0_i32, %c0_i32_0 : i32, i32
  }
  func.func @transform_6(%arg0: i32) -> (i32, i32) {
    %c0_i32 = arith.constant 0 : i32
    %c0_i32_0 = arith.constant 0 : i32
    %c0_i32_1 = arith.constant 0 : i32
    return %c0_i32, %c0_i32_0 : i32, i32
  }
  func.func @transform_7(%arg0: i32) -> (i32, i32) {
    %c0_i32 = arith.constant 0 : i32
    %c0_i32_0 = arith.constant 0 : i32
    return %arg0, %c0_i32 : i32, i32
  }
  func.func @transform_8(%arg0: i32) -> (i32, i32) {
    %c0_i32 = arith.constant 0 : i32
    %c0_i32_0 = arith.constant 0 : i32
    return %arg0, %c0_i32 : i32, i32
  }
  func.func @transform_9(%arg0: i32) -> (i32, i32) {
    %c0_i32 = arith.constant 0 : i32
    %c0_i32_0 = arith.constant 0 : i32
    return %arg0, %c0_i32 : i32, i32
  }
  func.func @transform_10(%arg0: i32) -> (i32, i32) {
    %c0_i32 = arith.constant 0 : i32
    %c0_i32_0 = arith.constant 0 : i32
    %c0_i32_1 = arith.constant 0 : i32
    return %c0_i32, %c0_i32_0 : i32, i32
  }
}

module attributes {stable_mosaic.version = 14 : i64} {
  func.func @_select_kernel(%arg0: memref<2048x2048xf32, #tpu.memory_space<vmem>>, %arg1: memref<1x1xi32, #tpu.memory_space<vmem>>, %arg2: memref<1x1xi32, #tpu.memory_space<vmem>>, %arg3: memref<1x1xi32, #tpu.memory_space<vmem>>) attributes {dimension_semantics = [], scalar_prefetch = 0 : i64, scratch_operands = 0 : i64, tpu.core_type = #tpu.core_type<tc>} {
    %get3A = arith.constant 0 : index
    %get3A_0 = arith.constant 0 : index
    %get3A_1 = vector.load %arg0[%get3A, %get3A_0] : memref<2048x2048xf32, #tpu.memory_space<vmem>>, vector<2048x2048xf32>
    %bitcast_convert_type3A = tpu.bitcast %get3A_1 : vector<2048x2048xf32> -> vector<2048x2048xi32>
    %ge3A = arith.constant 0 : i32
    %ge3A_2 = vector.broadcast %ge3A : i32 to vector<2048x2048xi32>
    %ge3A_3 = arith.cmpi sge, %bitcast_convert_type3A, %ge3A_2 : vector<2048x2048xi32>
    %xor3A = arith.constant 2147483647 : i32
    %xor3A_4 = vector.broadcast %xor3A : i32 to vector<2048x2048xi32>
    %xor3A_5 = arith.xori %bitcast_convert_type3A, %xor3A_4 : vector<2048x2048xi32>
    %select_n3A = arith.select %ge3A_3, %bitcast_convert_type3A, %xor3A_5 : vector<2048x2048xi1>, vector<2048x2048xi32>
    %get3A_6 = arith.constant 0 : index
    %get3A_7 = arith.constant 0 : index
    %get3A_8 = vector.load %arg1[%get3A_6, %get3A_7] : memref<1x1xi32, #tpu.memory_space<vmem>>, vector<1x1xi32>
    %get3A_9 = vector.extract %get3A_8[0, 0] : i32 from vector<1x1xi32>
    %scan3A = arith.constant -2147483648 : i32
    %scan3A_10 = arith.constant 2147483647 : i32
    %scan3A_11 = arith.constant 0 : i32
    %scan3A_12 = arith.constant 32 : i32
    %scan3A_13 = arith.addi %scan3A_11, %scan3A_12 : i32
    %scan3A_14 = arith.constant 1 : i32
    %scan3A_15:2 = scf.for %scan3A_27 = %scan3A_11 to %scan3A_13 step %scan3A_14 iter_args(%scan3A_28 = %scan3A, %scan3A_29 = %scan3A_10) -> (i32, i32)  : i32 {
      %and3A = arith.andi %scan3A_28, %scan3A_29 : i32
      %xor3A_30 = arith.xori %scan3A_28, %scan3A_29 : i32
      %shift_right_arithmetic3A = arith.constant 1 : i32
      %shift_right_arithmetic3A_31 = arith.shrsi %xor3A_30, %shift_right_arithmetic3A : i32
      %add3A = arith.addi %and3A, %shift_right_arithmetic3A_31 : i32
      %le3A = vector.broadcast %add3A : i32 to vector<2048x2048xi32>
      %le3A_32 = arith.cmpi sle, %select_n3A, %le3A : vector<2048x2048xi32>
      %convert_element_type3A_33 = arith.extui %le3A_32 : vector<2048x2048xi1> to vector<2048x2048xi32>
      %reduce_sum3A_34 = vector.shape_cast %convert_element_type3A_33 : vector<2048x2048xi32> to vector<1x2048x2048xi32>
      %reduce_sum3A_35 = arith.constant dense<0> : vector<1xi32>
      %reduce_sum3A_36 = vector.multi_reduction <add>, %reduce_sum3A_34, %reduce_sum3A_35 [1, 2] : vector<1x2048x2048xi32> to vector<1xi32>
      %reduce_sum3A_37 = vector.shape_cast %reduce_sum3A_36 : vector<1xi32> to vector<1x1x1xi32>
      %reduce_sum3A_38 = vector.extract %reduce_sum3A_37[0, 0, 0] : i32 from vector<1x1x1xi32>
      %ge3A_39 = arith.cmpi sge, %reduce_sum3A_38, %get3A_9 : i32
      %add3A_40 = arith.constant 1 : i32
      %add3A_41 = arith.addi %add3A, %add3A_40 : i32
      %select_n3A_42 = arith.select %ge3A_39, %scan3A_28, %add3A_41 : i32
      %select_n3A_43 = arith.select %ge3A_39, %add3A, %scan3A_29 : i32
      scf.yield %select_n3A_42, %select_n3A_43 : i32, i32
    }
    %broadcast_in_dim3A = vector.broadcast %scan3A_15#1 : i32 to vector<1x1xi32>
    %swap3A = arith.constant 0 : index
    %swap3A_16 = arith.constant 0 : index
    %swap3A_17 = vector.load %arg2[%swap3A, %swap3A_16] : memref<1x1xi32, #tpu.memory_space<vmem>>, vector<1x1xi32>
    tpu.vector_store %arg2[%swap3A, %swap3A_16], %broadcast_in_dim3A {strides = array<i32>} : memref<1x1xi32, #tpu.memory_space<vmem>>, vector<1x1xi32>,
    %lt3A = vector.broadcast %scan3A_15#1 : i32 to vector<2048x2048xi32>
    %lt3A_18 = arith.cmpi slt, %select_n3A, %lt3A : vector<2048x2048xi32>
    %convert_element_type3A = arith.extui %lt3A_18 : vector<2048x2048xi1> to vector<2048x2048xi32>
    %reduce_sum3A = vector.shape_cast %convert_element_type3A : vector<2048x2048xi32> to vector<1x2048x2048xi32>
    %reduce_sum3A_19 = arith.constant dense<0> : vector<1xi32>
    %reduce_sum3A_20 = vector.multi_reduction <add>, %reduce_sum3A, %reduce_sum3A_19 [1, 2] : vector<1x2048x2048xi32> to vector<1xi32>
    %reduce_sum3A_21 = vector.shape_cast %reduce_sum3A_20 : vector<1xi32> to vector<1x1x1xi32>
    %reduce_sum3A_22 = vector.extract %reduce_sum3A_21[0, 0, 0] : i32 from vector<1x1x1xi32>
    %sub3A = arith.subi %get3A_9, %reduce_sum3A_22 : i32
    %broadcast_in_dim3A_23 = vector.broadcast %sub3A : i32 to vector<1x1xi32>
    %swap3A_24 = arith.constant 0 : index
    %swap3A_25 = arith.constant 0 : index
    %swap3A_26 = vector.load %arg3[%swap3A_24, %swap3A_25] : memref<1x1xi32, #tpu.memory_space<vmem>>, vector<1x1xi32>
    tpu.vector_store %arg3[%swap3A_24, %swap3A_25], %broadcast_in_dim3A_23 {strides = array<i32>} : memref<1x1xi32, #tpu.memory_space<vmem>>, vector<1x1xi32>,
    return
  }
}

module attributes {stable_mosaic.version = 14 : i64} {
  func.func @_select_kernel(%arg0: memref<2048x2048xf32, #tpu.memory_space<vmem>>, %arg1: memref<1x1xi32, #tpu.memory_space<vmem>>, %arg2: memref<1x1xi32, #tpu.memory_space<vmem>>, %arg3: memref<1x1xi32, #tpu.memory_space<vmem>>) attributes {dimension_semantics = [], scalar_prefetch = 0 : i64, scratch_operands = 0 : i64, tpu.core_type = #tpu.core_type<tc>} {
    %get3A = arith.constant 0 : index
    %get3A_0 = arith.constant 0 : index
    %get3A_1 = vector.load %arg0[%get3A, %get3A_0] : memref<2048x2048xf32, #tpu.memory_space<vmem>>, vector<2048x2048xf32>
    %neg3A = arith.constant 0.000000e+00 : f32
    %neg3A_2 = vector.broadcast %neg3A : f32 to vector<2048x2048xf32>
    %neg3A_3 = arith.subf %neg3A_2, %get3A_1 : vector<2048x2048xf32>
    %bitcast_convert_type3A = tpu.bitcast %neg3A_3 : vector<2048x2048xf32> -> vector<2048x2048xi32>
    %ge3A = arith.constant 0 : i32
    %ge3A_4 = vector.broadcast %ge3A : i32 to vector<2048x2048xi32>
    %ge3A_5 = arith.cmpi sge, %bitcast_convert_type3A, %ge3A_4 : vector<2048x2048xi32>
    %xor3A = arith.constant 2147483647 : i32
    %xor3A_6 = vector.broadcast %xor3A : i32 to vector<2048x2048xi32>
    %xor3A_7 = arith.xori %bitcast_convert_type3A, %xor3A_6 : vector<2048x2048xi32>
    %select_n3A = arith.select %ge3A_5, %bitcast_convert_type3A, %xor3A_7 : vector<2048x2048xi1>, vector<2048x2048xi32>
    %get3A_8 = arith.constant 0 : index
    %get3A_9 = arith.constant 0 : index
    %get3A_10 = vector.load %arg1[%get3A_8, %get3A_9] : memref<1x1xi32, #tpu.memory_space<vmem>>, vector<1x1xi32>
    %get3A_11 = vector.extract %get3A_10[0, 0] : i32 from vector<1x1xi32>
    %scan3A = arith.constant -2147483648 : i32
    %scan3A_12 = arith.constant 2147483647 : i32
    %scan3A_13 = arith.constant 0 : i32
    %scan3A_14 = arith.constant 32 : i32
    %scan3A_15 = arith.addi %scan3A_13, %scan3A_14 : i32
    %scan3A_16 = arith.constant 1 : i32
    %scan3A_17:2 = scf.for %scan3A_29 = %scan3A_13 to %scan3A_15 step %scan3A_16 iter_args(%scan3A_30 = %scan3A, %scan3A_31 = %scan3A_12) -> (i32, i32)  : i32 {
      %and3A = arith.andi %scan3A_30, %scan3A_31 : i32
      %xor3A_32 = arith.xori %scan3A_30, %scan3A_31 : i32
      %shift_right_arithmetic3A = arith.constant 1 : i32
      %shift_right_arithmetic3A_33 = arith.shrsi %xor3A_32, %shift_right_arithmetic3A : i32
      %add3A = arith.addi %and3A, %shift_right_arithmetic3A_33 : i32
      %le3A = vector.broadcast %add3A : i32 to vector<2048x2048xi32>
      %le3A_34 = arith.cmpi sle, %select_n3A, %le3A : vector<2048x2048xi32>
      %convert_element_type3A_35 = arith.extui %le3A_34 : vector<2048x2048xi1> to vector<2048x2048xi32>
      %reduce_sum3A_36 = vector.shape_cast %convert_element_type3A_35 : vector<2048x2048xi32> to vector<1x2048x2048xi32>
      %reduce_sum3A_37 = arith.constant dense<0> : vector<1xi32>
      %reduce_sum3A_38 = vector.multi_reduction <add>, %reduce_sum3A_36, %reduce_sum3A_37 [1, 2] : vector<1x2048x2048xi32> to vector<1xi32>
      %reduce_sum3A_39 = vector.shape_cast %reduce_sum3A_38 : vector<1xi32> to vector<1x1x1xi32>
      %reduce_sum3A_40 = vector.extract %reduce_sum3A_39[0, 0, 0] : i32 from vector<1x1x1xi32>
      %ge3A_41 = arith.cmpi sge, %reduce_sum3A_40, %get3A_11 : i32
      %add3A_42 = arith.constant 1 : i32
      %add3A_43 = arith.addi %add3A, %add3A_42 : i32
      %select_n3A_44 = arith.select %ge3A_41, %scan3A_30, %add3A_43 : i32
      %select_n3A_45 = arith.select %ge3A_41, %add3A, %scan3A_31 : i32
      scf.yield %select_n3A_44, %select_n3A_45 : i32, i32
    }
    %broadcast_in_dim3A = vector.broadcast %scan3A_17#1 : i32 to vector<1x1xi32>
    %swap3A = arith.constant 0 : index
    %swap3A_18 = arith.constant 0 : index
    %swap3A_19 = vector.load %arg2[%swap3A, %swap3A_18] : memref<1x1xi32, #tpu.memory_space<vmem>>, vector<1x1xi32>
    tpu.vector_store %arg2[%swap3A, %swap3A_18], %broadcast_in_dim3A {strides = array<i32>} : memref<1x1xi32, #tpu.memory_space<vmem>>, vector<1x1xi32>,
    %lt3A = vector.broadcast %scan3A_17#1 : i32 to vector<2048x2048xi32>
    %lt3A_20 = arith.cmpi slt, %select_n3A, %lt3A : vector<2048x2048xi32>
    %convert_element_type3A = arith.extui %lt3A_20 : vector<2048x2048xi1> to vector<2048x2048xi32>
    %reduce_sum3A = vector.shape_cast %convert_element_type3A : vector<2048x2048xi32> to vector<1x2048x2048xi32>
    %reduce_sum3A_21 = arith.constant dense<0> : vector<1xi32>
    %reduce_sum3A_22 = vector.multi_reduction <add>, %reduce_sum3A, %reduce_sum3A_21 [1, 2] : vector<1x2048x2048xi32> to vector<1xi32>
    %reduce_sum3A_23 = vector.shape_cast %reduce_sum3A_22 : vector<1xi32> to vector<1x1x1xi32>
    %reduce_sum3A_24 = vector.extract %reduce_sum3A_23[0, 0, 0] : i32 from vector<1x1x1xi32>
    %sub3A = arith.subi %get3A_11, %reduce_sum3A_24 : i32
    %broadcast_in_dim3A_25 = vector.broadcast %sub3A : i32 to vector<1x1xi32>
    %swap3A_26 = arith.constant 0 : index
    %swap3A_27 = arith.constant 0 : index
    %swap3A_28 = vector.load %arg3[%swap3A_26, %swap3A_27] : memref<1x1xi32, #tpu.memory_space<vmem>>, vector<1x1xi32>
    tpu.vector_store %arg3[%swap3A_26, %swap3A_27], %broadcast_in_dim3A_25 {strides = array<i32>} : memref<1x1xi32, #tpu.memory_space<vmem>>, vector<1x1xi32>,
    return
  }
}

module attributes {stable_mosaic.version = 14 : i64} {
  func.func @_assemble_kernel(%arg0: i32, %arg1: memref<256x2048xf32, #tpu.memory_space<vmem>>, %arg2: memref<256x2048xf32, #tpu.memory_space<vmem>>, %arg3: memref<256x2048xf32, #tpu.memory_space<vmem>>, %arg4: memref<1x1xi32, #tpu.memory_space<vmem>>, %arg5: memref<1x1xi32, #tpu.memory_space<vmem>>, %arg6: memref<1x1xi32, #tpu.memory_space<vmem>>, %arg7: memref<1x1xi32, #tpu.memory_space<vmem>>, %arg8: memref<256x2048xf32, #tpu.memory_space<vmem>>, %arg9: memref<1x1xi32, #tpu.memory_space<vmem>>, %arg10: memref<1x1xi32, #tpu.memory_space<vmem>>) attributes {dimension_semantics = [#tpu.dimension_semantics<arbitrary>], iteration_bounds = array<i64: 8>, scalar_prefetch = 0 : i64, scratch_operands = 0 : i64, tpu.core_type = #tpu.core_type<tc>, window_params = [{transform_indices = @transform_0, window_bounds = array<i64: 256, 2048>}, {transform_indices = @transform_1, window_bounds = array<i64: 256, 2048>}, {transform_indices = @transform_2, window_bounds = array<i64: 256, 2048>}, {pipeline_mode = #tpu.pipeline_mode<synchronous>, transform_indices = @transform_3, window_bounds = array<i64: 1, 1>}, {pipeline_mode = #tpu.pipeline_mode<synchronous>, transform_indices = @transform_4, window_bounds = array<i64: 1, 1>}, {pipeline_mode = #tpu.pipeline_mode<synchronous>, transform_indices = @transform_5, window_bounds = array<i64: 1, 1>}, {pipeline_mode = #tpu.pipeline_mode<synchronous>, transform_indices = @transform_6, window_bounds = array<i64: 1, 1>}, {transform_indices = @transform_7, window_bounds = array<i64: 256, 2048>}, {pipeline_mode = #tpu.pipeline_mode<synchronous>, transform_indices = @transform_8, window_bounds = array<i64: 1, 1>}, {pipeline_mode = #tpu.pipeline_mode<synchronous>, transform_indices = @transform_9, window_bounds = array<i64: 1, 1>}]} {
    %eq3A = arith.constant 0 : i32
    %eq3A_0 = arith.cmpi eq, %arg0, %eq3A : i32
    %convert_element_type3A = arith.extui %eq3A_0 : i1 to i32
    %cond3A = arith.constant 0 : i32
    %cond3A_1 = arith.cmpi ne, %convert_element_type3A, %cond3A : i32
    scf.if %cond3A_1 {
      %broadcast_in_dim3A_311 = arith.constant 0 : i32
      %broadcast_in_dim3A_312 = vector.broadcast %broadcast_in_dim3A_311 : i32 to vector<1x1xi32>
      %swap3A_313 = arith.constant 0 : index
      %swap3A_314 = arith.constant 0 : index
      %swap3A_315 = vector.load %arg9[%swap3A_313, %swap3A_314] : memref<1x1xi32, #tpu.memory_space<vmem>>, vector<1x1xi32>
      tpu.vector_store %arg9[%swap3A_313, %swap3A_314], %broadcast_in_dim3A_312 {strides = array<i32>} : memref<1x1xi32, #tpu.memory_space<vmem>>, vector<1x1xi32>,
      %broadcast_in_dim3A_316 = arith.constant 0 : i32
      %broadcast_in_dim3A_317 = vector.broadcast %broadcast_in_dim3A_316 : i32 to vector<1x1xi32>
      %swap3A_318 = arith.constant 0 : index
      %swap3A_319 = arith.constant 0 : index
      %swap3A_320 = vector.load %arg10[%swap3A_318, %swap3A_319] : memref<1x1xi32, #tpu.memory_space<vmem>>, vector<1x1xi32>
      tpu.vector_store %arg10[%swap3A_318, %swap3A_319], %broadcast_in_dim3A_317 {strides = array<i32>} : memref<1x1xi32, #tpu.memory_space<vmem>>, vector<1x1xi32>,
    } else {
    }
    %get3A = arith.constant 0 : index
    %get3A_2 = arith.constant 0 : index
    %get3A_3 = vector.load %arg3[%get3A, %get3A_2] : memref<256x2048xf32, #tpu.memory_space<vmem>>, vector<256x2048xf32>
    %mul3A = arith.constant 256 : i32
    %mul3A_4 = arith.muli %arg0, %mul3A : i32
    %iota3A = tpu.iota {dimensions = array<i32: 0>} : vector<256x2048xi32>
    %add3A = vector.broadcast %mul3A_4 : i32 to vector<256x2048xi32>
    %add3A_5 = arith.addi %add3A, %iota3A : vector<256x2048xi32>
    %iota3A_6 = tpu.iota {dimensions = array<i32: 1>} : vector<256x2048xi32>
    %gt3A = arith.cmpi sgt, %add3A_5, %iota3A_6 : vector<256x2048xi32>
    %get3A_7 = arith.constant 0 : index
    %get3A_8 = arith.constant 0 : index
    %get3A_9 = vector.load %arg2[%get3A_7, %get3A_8] : memref<256x2048xf32, #tpu.memory_space<vmem>>, vector<256x2048xf32>
    %neg3A = arith.constant 0.000000e+00 : f32
    %neg3A_10 = vector.broadcast %neg3A : f32 to vector<256x2048xf32>
    %neg3A_11 = arith.subf %neg3A_10, %get3A_9 : vector<256x2048xf32>
    %bitcast_convert_type3A = tpu.bitcast %neg3A_11 : vector<256x2048xf32> -> vector<256x2048xi32>
    %ge3A = arith.constant 0 : i32
    %ge3A_12 = vector.broadcast %ge3A : i32 to vector<256x2048xi32>
    %ge3A_13 = arith.cmpi sge, %bitcast_convert_type3A, %ge3A_12 : vector<256x2048xi32>
    %xor3A = arith.constant 2147483647 : i32
    %xor3A_14 = vector.broadcast %xor3A : i32 to vector<256x2048xi32>
    %xor3A_15 = arith.xori %bitcast_convert_type3A, %xor3A_14 : vector<256x2048xi32>
    %select_n3A = arith.select %ge3A_13, %bitcast_convert_type3A, %xor3A_15 : vector<256x2048xi1>, vector<256x2048xi32>
    %get3A_16 = arith.constant 0 : index
    %get3A_17 = arith.constant 0 : index
    %get3A_18 = vector.load %arg6[%get3A_16, %get3A_17] : memref<1x1xi32, #tpu.memory_space<vmem>>, vector<1x1xi32>
    %get3A_19 = vector.extract %get3A_18[0, 0] : i32 from vector<1x1xi32>
    %get3A_20 = arith.constant 0 : index
    %get3A_21 = arith.constant 0 : index
    %get3A_22 = vector.load %arg7[%get3A_20, %get3A_21] : memref<1x1xi32, #tpu.memory_space<vmem>>, vector<1x1xi32>
    %get3A_23 = vector.extract %get3A_22[0, 0] : i32 from vector<1x1xi32>
    %eq3A_24 = vector.broadcast %get3A_19 : i32 to vector<256x2048xi32>
    %eq3A_25 = arith.cmpi eq, %select_n3A, %eq3A_24 : vector<256x2048xi32>
    %convert_element_type3A_26 = arith.extui %eq3A_25 : vector<256x2048xi1> to vector<256x2048xi32>
    %broadcast_in_dim3A = arith.constant 0 : i32
    %broadcast_in_dim3A_27 = vector.broadcast %broadcast_in_dim3A : i32 to vector<256x1xi32>
    %slice3A = vector.extract_strided_slice %convert_element_type3A_26 {offsets = [0, 0], sizes = [256, 2047], strides = [1, 1]} : vector<256x2048xi32> to vector<256x2047xi32>
    %concatenate3A = tpu.concatenate %broadcast_in_dim3A_27, %slice3A in 1 : vector<256x1xi32>, vector<256x2047xi32> -> vector<256x2048xi32>
    %add3A_28 = arith.addi %convert_element_type3A_26, %concatenate3A : vector<256x2048xi32>
    %broadcast_in_dim3A_29 = arith.constant 0 : i32
    %broadcast_in_dim3A_30 = vector.broadcast %broadcast_in_dim3A_29 : i32 to vector<256x2xi32>
    %slice3A_31 = vector.extract_strided_slice %add3A_28 {offsets = [0, 0], sizes = [256, 2046], strides = [1, 1]} : vector<256x2048xi32> to vector<256x2046xi32>
    %concatenate3A_32 = tpu.concatenate %broadcast_in_dim3A_30, %slice3A_31 in 1 : vector<256x2xi32>, vector<256x2046xi32> -> vector<256x2048xi32>
    %add3A_33 = arith.addi %add3A_28, %concatenate3A_32 : vector<256x2048xi32>
    %broadcast_in_dim3A_34 = arith.constant 0 : i32
    %broadcast_in_dim3A_35 = vector.broadcast %broadcast_in_dim3A_34 : i32 to vector<256x4xi32>
    %slice3A_36 = vector.extract_strided_slice %add3A_33 {offsets = [0, 0], sizes = [256, 2044], strides = [1, 1]} : vector<256x2048xi32> to vector<256x2044xi32>
    %concatenate3A_37 = tpu.concatenate %broadcast_in_dim3A_35, %slice3A_36 in 1 : vector<256x4xi32>, vector<256x2044xi32> -> vector<256x2048xi32>
    %add3A_38 = arith.addi %add3A_33, %concatenate3A_37 : vector<256x2048xi32>
    %broadcast_in_dim3A_39 = arith.constant 0 : i32
    %broadcast_in_dim3A_40 = vector.broadcast %broadcast_in_dim3A_39 : i32 to vector<256x8xi32>
    %slice3A_41 = vector.extract_strided_slice %add3A_38 {offsets = [0, 0], sizes = [256, 2040], strides = [1, 1]} : vector<256x2048xi32> to vector<256x2040xi32>
    %concatenate3A_42 = tpu.concatenate %broadcast_in_dim3A_40, %slice3A_41 in 1 : vector<256x8xi32>, vector<256x2040xi32> -> vector<256x2048xi32>
    %add3A_43 = arith.addi %add3A_38, %concatenate3A_42 : vector<256x2048xi32>
    %broadcast_in_dim3A_44 = arith.constant 0 : i32
    %broadcast_in_dim3A_45 = vector.broadcast %broadcast_in_dim3A_44 : i32 to vector<256x16xi32>
    %slice3A_46 = vector.extract_strided_slice %add3A_43 {offsets = [0, 0], sizes = [256, 2032], strides = [1, 1]} : vector<256x2048xi32> to vector<256x2032xi32>
    %concatenate3A_47 = tpu.concatenate %broadcast_in_dim3A_45, %slice3A_46 in 1 : vector<256x16xi32>, vector<256x2032xi32> -> vector<256x2048xi32>
    %add3A_48 = arith.addi %add3A_43, %concatenate3A_47 : vector<256x2048xi32>
    %broadcast_in_dim3A_49 = arith.constant 0 : i32
    %broadcast_in_dim3A_50 = vector.broadcast %broadcast_in_dim3A_49 : i32 to vector<256x32xi32>
    %slice3A_51 = vector.extract_strided_slice %add3A_48 {offsets = [0, 0], sizes = [256, 2016], strides = [1, 1]} : vector<256x2048xi32> to vector<256x2016xi32>
    %concatenate3A_52 = tpu.concatenate %broadcast_in_dim3A_50, %slice3A_51 in 1 : vector<256x32xi32>, vector<256x2016xi32> -> vector<256x2048xi32>
    %add3A_53 = arith.addi %add3A_48, %concatenate3A_52 : vector<256x2048xi32>
    %broadcast_in_dim3A_54 = arith.constant 0 : i32
    %broadcast_in_dim3A_55 = vector.broadcast %broadcast_in_dim3A_54 : i32 to vector<256x64xi32>
    %slice3A_56 = vector.extract_strided_slice %add3A_53 {offsets = [0, 0], sizes = [256, 1984], strides = [1, 1]} : vector<256x2048xi32> to vector<256x1984xi32>
    %concatenate3A_57 = tpu.concatenate %broadcast_in_dim3A_55, %slice3A_56 in 1 : vector<256x64xi32>, vector<256x1984xi32> -> vector<256x2048xi32>
    %add3A_58 = arith.addi %add3A_53, %concatenate3A_57 : vector<256x2048xi32>
    %broadcast_in_dim3A_59 = arith.constant 0 : i32
    %broadcast_in_dim3A_60 = vector.broadcast %broadcast_in_dim3A_59 : i32 to vector<256x128xi32>
    %slice3A_61 = vector.extract_strided_slice %add3A_58 {offsets = [0, 0], sizes = [256, 1920], strides = [1, 1]} : vector<256x2048xi32> to vector<256x1920xi32>
    %concatenate3A_62 = tpu.concatenate %broadcast_in_dim3A_60, %slice3A_61 in 1 : vector<256x128xi32>, vector<256x1920xi32> -> vector<256x2048xi32>
    %add3A_63 = arith.addi %add3A_58, %concatenate3A_62 : vector<256x2048xi32>
    %broadcast_in_dim3A_64 = arith.constant 0 : i32
    %broadcast_in_dim3A_65 = vector.broadcast %broadcast_in_dim3A_64 : i32 to vector<256x256xi32>
    %slice3A_66 = vector.extract_strided_slice %add3A_63 {offsets = [0, 0], sizes = [256, 1792], strides = [1, 1]} : vector<256x2048xi32> to vector<256x1792xi32>
    %concatenate3A_67 = tpu.concatenate %broadcast_in_dim3A_65, %slice3A_66 in 1 : vector<256x256xi32>, vector<256x1792xi32> -> vector<256x2048xi32>
    %add3A_68 = arith.addi %add3A_63, %concatenate3A_67 : vector<256x2048xi32>
    %broadcast_in_dim3A_69 = arith.constant 0 : i32
    %broadcast_in_dim3A_70 = vector.broadcast %broadcast_in_dim3A_69 : i32 to vector<256x512xi32>
    %slice3A_71 = vector.extract_strided_slice %add3A_68 {offsets = [0, 0], sizes = [256, 1536], strides = [1, 1]} : vector<256x2048xi32> to vector<256x1536xi32>
    %concatenate3A_72 = tpu.concatenate %broadcast_in_dim3A_70, %slice3A_71 in 1 : vector<256x512xi32>, vector<256x1536xi32> -> vector<256x2048xi32>
    %add3A_73 = arith.addi %add3A_68, %concatenate3A_72 : vector<256x2048xi32>
    %broadcast_in_dim3A_74 = arith.constant 0 : i32
    %broadcast_in_dim3A_75 = vector.broadcast %broadcast_in_dim3A_74 : i32 to vector<256x1024xi32>
    %slice3A_76 = vector.extract_strided_slice %add3A_73 {offsets = [0, 0], sizes = [256, 1024], strides = [1, 1]} : vector<256x2048xi32> to vector<256x1024xi32>
    %concatenate3A_77 = tpu.concatenate %broadcast_in_dim3A_75, %slice3A_76 in 1 : vector<256x1024xi32>, vector<256x1024xi32> -> vector<256x2048xi32>
    %add3A_78 = arith.addi %add3A_73, %concatenate3A_77 : vector<256x2048xi32>
    %sub3A = arith.subi %add3A_78, %convert_element_type3A_26 : vector<256x2048xi32>
    %reduce_sum3A = arith.constant dense<0> : vector<256xi32>
    %reduce_sum3A_79 = vector.multi_reduction <add>, %convert_element_type3A_26, %reduce_sum3A [1] : vector<256x2048xi32> to vector<256xi32>
    %broadcast_in_dim3A_80 = vector.shape_cast %reduce_sum3A_79 : vector<256xi32> to vector<256x1xi32>
    %broadcast_in_dim3A_81 = arith.constant 0 : i32
    %broadcast_in_dim3A_82 = vector.broadcast %broadcast_in_dim3A_81 : i32 to vector<1x1xi32>
    %slice3A_83 = vector.extract_strided_slice %broadcast_in_dim3A_80 {offsets = [0, 0], sizes = [255, 1], strides = [1, 1]} : vector<256x1xi32> to vector<255x1xi32>
    %concatenate3A_84 = tpu.concatenate %broadcast_in_dim3A_82, %slice3A_83 in 0 : vector<1x1xi32>, vector<255x1xi32> -> vector<256x1xi32>
    %add3A_85 = arith.addi %broadcast_in_dim3A_80, %concatenate3A_84 : vector<256x1xi32>
    %broadcast_in_dim3A_86 = arith.constant 0 : i32
    %broadcast_in_dim3A_87 = vector.broadcast %broadcast_in_dim3A_86 : i32 to vector<2x1xi32>
    %slice3A_88 = vector.extract_strided_slice %add3A_85 {offsets = [0, 0], sizes = [254, 1], strides = [1, 1]} : vector<256x1xi32> to vector<254x1xi32>
    %concatenate3A_89 = tpu.concatenate %broadcast_in_dim3A_87, %slice3A_88 in 0 : vector<2x1xi32>, vector<254x1xi32> -> vector<256x1xi32>
    %add3A_90 = arith.addi %add3A_85, %concatenate3A_89 : vector<256x1xi32>
    %broadcast_in_dim3A_91 = arith.constant 0 : i32
    %broadcast_in_dim3A_92 = vector.broadcast %broadcast_in_dim3A_91 : i32 to vector<4x1xi32>
    %slice3A_93 = vector.extract_strided_slice %add3A_90 {offsets = [0, 0], sizes = [252, 1], strides = [1, 1]} : vector<256x1xi32> to vector<252x1xi32>
    %concatenate3A_94 = tpu.concatenate %broadcast_in_dim3A_92, %slice3A_93 in 0 : vector<4x1xi32>, vector<252x1xi32> -> vector<256x1xi32>
    %add3A_95 = arith.addi %add3A_90, %concatenate3A_94 : vector<256x1xi32>
    %broadcast_in_dim3A_96 = arith.constant 0 : i32
    %broadcast_in_dim3A_97 = vector.broadcast %broadcast_in_dim3A_96 : i32 to vector<8x1xi32>
    %slice3A_98 = vector.extract_strided_slice %add3A_95 {offsets = [0, 0], sizes = [248, 1], strides = [1, 1]} : vector<256x1xi32> to vector<248x1xi32>
    %concatenate3A_99 = tpu.concatenate %broadcast_in_dim3A_97, %slice3A_98 in 0 : vector<8x1xi32>, vector<248x1xi32> -> vector<256x1xi32>
    %add3A_100 = arith.addi %add3A_95, %concatenate3A_99 : vector<256x1xi32>
    %broadcast_in_dim3A_101 = arith.constant 0 : i32
    %broadcast_in_dim3A_102 = vector.broadcast %broadcast_in_dim3A_101 : i32 to vector<16x1xi32>
    %slice3A_103 = vector.extract_strided_slice %add3A_100 {offsets = [0, 0], sizes = [240, 1], strides = [1, 1]} : vector<256x1xi32> to vector<240x1xi32>
    %concatenate3A_104 = tpu.concatenate %broadcast_in_dim3A_102, %slice3A_103 in 0 : vector<16x1xi32>, vector<240x1xi32> -> vector<256x1xi32>
    %add3A_105 = arith.addi %add3A_100, %concatenate3A_104 : vector<256x1xi32>
    %broadcast_in_dim3A_106 = arith.constant 0 : i32
    %broadcast_in_dim3A_107 = vector.broadcast %broadcast_in_dim3A_106 : i32 to vector<32x1xi32>
    %slice3A_108 = vector.extract_strided_slice %add3A_105 {offsets = [0, 0], sizes = [224, 1], strides = [1, 1]} : vector<256x1xi32> to vector<224x1xi32>
    %concatenate3A_109 = tpu.concatenate %broadcast_in_dim3A_107, %slice3A_108 in 0 : vector<32x1xi32>, vector<224x1xi32> -> vector<256x1xi32>
    %add3A_110 = arith.addi %add3A_105, %concatenate3A_109 : vector<256x1xi32>
    %broadcast_in_dim3A_111 = arith.constant 0 : i32
    %broadcast_in_dim3A_112 = vector.broadcast %broadcast_in_dim3A_111 : i32 to vector<64x1xi32>
    %slice3A_113 = vector.extract_strided_slice %add3A_110 {offsets = [0, 0], sizes = [192, 1], strides = [1, 1]} : vector<256x1xi32> to vector<192x1xi32>
    %concatenate3A_114 = tpu.concatenate %broadcast_in_dim3A_112, %slice3A_113 in 0 : vector<64x1xi32>, vector<192x1xi32> -> vector<256x1xi32>
    %add3A_115 = arith.addi %add3A_110, %concatenate3A_114 : vector<256x1xi32>
    %broadcast_in_dim3A_116 = arith.constant 0 : i32
    %broadcast_in_dim3A_117 = vector.broadcast %broadcast_in_dim3A_116 : i32 to vector<128x1xi32>
    %slice3A_118 = vector.extract_strided_slice %add3A_115 {offsets = [0, 0], sizes = [128, 1], strides = [1, 1]} : vector<256x1xi32> to vector<128x1xi32>
    %concatenate3A_119 = tpu.concatenate %broadcast_in_dim3A_117, %slice3A_118 in 0 : vector<128x1xi32>, vector<128x1xi32> -> vector<256x1xi32>
    %add3A_120 = arith.addi %add3A_115, %concatenate3A_119 : vector<256x1xi32>
    %sub3A_121 = arith.subi %add3A_120, %broadcast_in_dim3A_80 : vector<256x1xi32>
    %get3A_122 = arith.constant 0 : index
    %get3A_123 = arith.constant 0 : index
    %get3A_124 = vector.load %arg10[%get3A_122, %get3A_123] : memref<1x1xi32, #tpu.memory_space<vmem>>, vector<1x1xi32>
    %get3A_125 = vector.extract %get3A_124[0, 0] : i32 from vector<1x1xi32>
    %add3A_126 = vector.broadcast %get3A_125 : i32 to vector<256x1xi32>
    %add3A_127 = arith.addi %add3A_126, %sub3A_121 : vector<256x1xi32>
    %add3A_128 = vector.broadcast %add3A_127 : vector<256x1xi32> to vector<256x2048xi32>
    %add3A_129 = arith.addi %add3A_128, %sub3A : vector<256x2048xi32>
    %lt3A = vector.broadcast %get3A_19 : i32 to vector<256x2048xi32>
    %lt3A_130 = arith.cmpi slt, %select_n3A, %lt3A : vector<256x2048xi32>
    %gt3A_131 = arith.constant 0 : i32
    %gt3A_132 = vector.broadcast %gt3A_131 : i32 to vector<256x2048xi32>
    %gt3A_133 = arith.cmpi sgt, %convert_element_type3A_26, %gt3A_132 : vector<256x2048xi32>
    %lt3A_134 = vector.broadcast %get3A_23 : i32 to vector<256x2048xi32>
    %lt3A_135 = arith.cmpi slt, %add3A_129, %lt3A_134 : vector<256x2048xi32>
    %and3A = arith.andi %gt3A_133, %lt3A_135 : vector<256x2048xi1>
    %or3A = arith.ori %lt3A_130, %and3A : vector<256x2048xi1>
    %get3A_136 = arith.constant 0 : index
    %get3A_137 = arith.constant 0 : index
    %get3A_138 = vector.load %arg10[%get3A_136, %get3A_137] : memref<1x1xi32, #tpu.memory_space<vmem>>, vector<1x1xi32>
    %reduce_sum3A_139 = vector.shape_cast %convert_element_type3A_26 : vector<256x2048xi32> to vector<1x256x2048xi32>
    %reduce_sum3A_140 = arith.constant dense<0> : vector<1xi32>
    %reduce_sum3A_141 = vector.multi_reduction <add>, %reduce_sum3A_139, %reduce_sum3A_140 [1, 2] : vector<1x256x2048xi32> to vector<1xi32>
    %reduce_sum3A_142 = vector.shape_cast %reduce_sum3A_141 : vector<1xi32> to vector<1x1x1xi32>
    %reduce_sum3A_143 = vector.extract %reduce_sum3A_142[0, 0, 0] : i32 from vector<1x1x1xi32>
    %add3A_144 = vector.broadcast %reduce_sum3A_143 : i32 to vector<1x1xi32>
    %add3A_145 = arith.addi %get3A_138, %add3A_144 : vector<1x1xi32>
    %swap3A = arith.constant 0 : index
    %swap3A_146 = arith.constant 0 : index
    %swap3A_147 = vector.load %arg10[%swap3A, %swap3A_146] : memref<1x1xi32, #tpu.memory_space<vmem>>, vector<1x1xi32>
    tpu.vector_store %arg10[%swap3A, %swap3A_146], %add3A_145 {strides = array<i32>} : memref<1x1xi32, #tpu.memory_space<vmem>>, vector<1x1xi32>,
    %get3A_148 = arith.constant 0 : index
    %get3A_149 = arith.constant 0 : index
    %get3A_150 = vector.load %arg1[%get3A_148, %get3A_149] : memref<256x2048xf32, #tpu.memory_space<vmem>>, vector<256x2048xf32>
    %bitcast_convert_type3A_151 = tpu.bitcast %get3A_150 : vector<256x2048xf32> -> vector<256x2048xi32>
    %ge3A_152 = arith.constant 0 : i32
    %ge3A_153 = vector.broadcast %ge3A_152 : i32 to vector<256x2048xi32>
    %ge3A_154 = arith.cmpi sge, %bitcast_convert_type3A_151, %ge3A_153 : vector<256x2048xi32>
    %xor3A_155 = arith.constant 2147483647 : i32
    %xor3A_156 = vector.broadcast %xor3A_155 : i32 to vector<256x2048xi32>
    %xor3A_157 = arith.xori %bitcast_convert_type3A_151, %xor3A_156 : vector<256x2048xi32>
    %select_n3A_158 = arith.select %ge3A_154, %bitcast_convert_type3A_151, %xor3A_157 : vector<256x2048xi1>, vector<256x2048xi32>
    %get3A_159 = arith.constant 0 : index
    %get3A_160 = arith.constant 0 : index
    %get3A_161 = vector.load %arg4[%get3A_159, %get3A_160] : memref<1x1xi32, #tpu.memory_space<vmem>>, vector<1x1xi32>
    %get3A_162 = vector.extract %get3A_161[0, 0] : i32 from vector<1x1xi32>
    %get3A_163 = arith.constant 0 : index
    %get3A_164 = arith.constant 0 : index
    %get3A_165 = vector.load %arg5[%get3A_163, %get3A_164] : memref<1x1xi32, #tpu.memory_space<vmem>>, vector<1x1xi32>
    %get3A_166 = vector.extract %get3A_165[0, 0] : i32 from vector<1x1xi32>
    %eq3A_167 = vector.broadcast %get3A_162 : i32 to vector<256x2048xi32>
    %eq3A_168 = arith.cmpi eq, %select_n3A_158, %eq3A_167 : vector<256x2048xi32>
    %convert_element_type3A_169 = arith.extui %eq3A_168 : vector<256x2048xi1> to vector<256x2048xi32>
    %broadcast_in_dim3A_170 = arith.constant 0 : i32
    %broadcast_in_dim3A_171 = vector.broadcast %broadcast_in_dim3A_170 : i32 to vector<256x1xi32>
    %slice3A_172 = vector.extract_strided_slice %convert_element_type3A_169 {offsets = [0, 0], sizes = [256, 2047], strides = [1, 1]} : vector<256x2048xi32> to vector<256x2047xi32>
    %concatenate3A_173 = tpu.concatenate %broadcast_in_dim3A_171, %slice3A_172 in 1 : vector<256x1xi32>, vector<256x2047xi32> -> vector<256x2048xi32>
    %add3A_174 = arith.addi %convert_element_type3A_169, %concatenate3A_173 : vector<256x2048xi32>
    %broadcast_in_dim3A_175 = arith.constant 0 : i32
    %broadcast_in_dim3A_176 = vector.broadcast %broadcast_in_dim3A_175 : i32 to vector<256x2xi32>
    %slice3A_177 = vector.extract_strided_slice %add3A_174 {offsets = [0, 0], sizes = [256, 2046], strides = [1, 1]} : vector<256x2048xi32> to vector<256x2046xi32>
    %concatenate3A_178 = tpu.concatenate %broadcast_in_dim3A_176, %slice3A_177 in 1 : vector<256x2xi32>, vector<256x2046xi32> -> vector<256x2048xi32>
    %add3A_179 = arith.addi %add3A_174, %concatenate3A_178 : vector<256x2048xi32>
    %broadcast_in_dim3A_180 = arith.constant 0 : i32
    %broadcast_in_dim3A_181 = vector.broadcast %broadcast_in_dim3A_180 : i32 to vector<256x4xi32>
    %slice3A_182 = vector.extract_strided_slice %add3A_179 {offsets = [0, 0], sizes = [256, 2044], strides = [1, 1]} : vector<256x2048xi32> to vector<256x2044xi32>
    %concatenate3A_183 = tpu.concatenate %broadcast_in_dim3A_181, %slice3A_182 in 1 : vector<256x4xi32>, vector<256x2044xi32> -> vector<256x2048xi32>
    %add3A_184 = arith.addi %add3A_179, %concatenate3A_183 : vector<256x2048xi32>
    %broadcast_in_dim3A_185 = arith.constant 0 : i32
    %broadcast_in_dim3A_186 = vector.broadcast %broadcast_in_dim3A_185 : i32 to vector<256x8xi32>
    %slice3A_187 = vector.extract_strided_slice %add3A_184 {offsets = [0, 0], sizes = [256, 2040], strides = [1, 1]} : vector<256x2048xi32> to vector<256x2040xi32>
    %concatenate3A_188 = tpu.concatenate %broadcast_in_dim3A_186, %slice3A_187 in 1 : vector<256x8xi32>, vector<256x2040xi32> -> vector<256x2048xi32>
    %add3A_189 = arith.addi %add3A_184, %concatenate3A_188 : vector<256x2048xi32>
    %broadcast_in_dim3A_190 = arith.constant 0 : i32
    %broadcast_in_dim3A_191 = vector.broadcast %broadcast_in_dim3A_190 : i32 to vector<256x16xi32>
    %slice3A_192 = vector.extract_strided_slice %add3A_189 {offsets = [0, 0], sizes = [256, 2032], strides = [1, 1]} : vector<256x2048xi32> to vector<256x2032xi32>
    %concatenate3A_193 = tpu.concatenate %broadcast_in_dim3A_191, %slice3A_192 in 1 : vector<256x16xi32>, vector<256x2032xi32> -> vector<256x2048xi32>
    %add3A_194 = arith.addi %add3A_189, %concatenate3A_193 : vector<256x2048xi32>
    %broadcast_in_dim3A_195 = arith.constant 0 : i32
    %broadcast_in_dim3A_196 = vector.broadcast %broadcast_in_dim3A_195 : i32 to vector<256x32xi32>
    %slice3A_197 = vector.extract_strided_slice %add3A_194 {offsets = [0, 0], sizes = [256, 2016], strides = [1, 1]} : vector<256x2048xi32> to vector<256x2016xi32>
    %concatenate3A_198 = tpu.concatenate %broadcast_in_dim3A_196, %slice3A_197 in 1 : vector<256x32xi32>, vector<256x2016xi32> -> vector<256x2048xi32>
    %add3A_199 = arith.addi %add3A_194, %concatenate3A_198 : vector<256x2048xi32>
    %broadcast_in_dim3A_200 = arith.constant 0 : i32
    %broadcast_in_dim3A_201 = vector.broadcast %broadcast_in_dim3A_200 : i32 to vector<256x64xi32>
    %slice3A_202 = vector.extract_strided_slice %add3A_199 {offsets = [0, 0], sizes = [256, 1984], strides = [1, 1]} : vector<256x2048xi32> to vector<256x1984xi32>
    %concatenate3A_203 = tpu.concatenate %broadcast_in_dim3A_201, %slice3A_202 in 1 : vector<256x64xi32>, vector<256x1984xi32> -> vector<256x2048xi32>
    %add3A_204 = arith.addi %add3A_199, %concatenate3A_203 : vector<256x2048xi32>
    %broadcast_in_dim3A_205 = arith.constant 0 : i32
    %broadcast_in_dim3A_206 = vector.broadcast %broadcast_in_dim3A_205 : i32 to vector<256x128xi32>
    %slice3A_207 = vector.extract_strided_slice %add3A_204 {offsets = [0, 0], sizes = [256, 1920], strides = [1, 1]} : vector<256x2048xi32> to vector<256x1920xi32>
    %concatenate3A_208 = tpu.concatenate %broadcast_in_dim3A_206, %slice3A_207 in 1 : vector<256x128xi32>, vector<256x1920xi32> -> vector<256x2048xi32>
    %add3A_209 = arith.addi %add3A_204, %concatenate3A_208 : vector<256x2048xi32>
    %broadcast_in_dim3A_210 = arith.constant 0 : i32
    %broadcast_in_dim3A_211 = vector.broadcast %broadcast_in_dim3A_210 : i32 to vector<256x256xi32>
    %slice3A_212 = vector.extract_strided_slice %add3A_209 {offsets = [0, 0], sizes = [256, 1792], strides = [1, 1]} : vector<256x2048xi32> to vector<256x1792xi32>
    %concatenate3A_213 = tpu.concatenate %broadcast_in_dim3A_211, %slice3A_212 in 1 : vector<256x256xi32>, vector<256x1792xi32> -> vector<256x2048xi32>
    %add3A_214 = arith.addi %add3A_209, %concatenate3A_213 : vector<256x2048xi32>
    %broadcast_in_dim3A_215 = arith.constant 0 : i32
    %broadcast_in_dim3A_216 = vector.broadcast %broadcast_in_dim3A_215 : i32 to vector<256x512xi32>
    %slice3A_217 = vector.extract_strided_slice %add3A_214 {offsets = [0, 0], sizes = [256, 1536], strides = [1, 1]} : vector<256x2048xi32> to vector<256x1536xi32>
    %concatenate3A_218 = tpu.concatenate %broadcast_in_dim3A_216, %slice3A_217 in 1 : vector<256x512xi32>, vector<256x1536xi32> -> vector<256x2048xi32>
    %add3A_219 = arith.addi %add3A_214, %concatenate3A_218 : vector<256x2048xi32>
    %broadcast_in_dim3A_220 = arith.constant 0 : i32
    %broadcast_in_dim3A_221 = vector.broadcast %broadcast_in_dim3A_220 : i32 to vector<256x1024xi32>
    %slice3A_222 = vector.extract_strided_slice %add3A_219 {offsets = [0, 0], sizes = [256, 1024], strides = [1, 1]} : vector<256x2048xi32> to vector<256x1024xi32>
    %concatenate3A_223 = tpu.concatenate %broadcast_in_dim3A_221, %slice3A_222 in 1 : vector<256x1024xi32>, vector<256x1024xi32> -> vector<256x2048xi32>
    %add3A_224 = arith.addi %add3A_219, %concatenate3A_223 : vector<256x2048xi32>
    %sub3A_225 = arith.subi %add3A_224, %convert_element_type3A_169 : vector<256x2048xi32>
    %reduce_sum3A_226 = arith.constant dense<0> : vector<256xi32>
    %reduce_sum3A_227 = vector.multi_reduction <add>, %convert_element_type3A_169, %reduce_sum3A_226 [1] : vector<256x2048xi32> to vector<256xi32>
    %broadcast_in_dim3A_228 = vector.shape_cast %reduce_sum3A_227 : vector<256xi32> to vector<256x1xi32>
    %broadcast_in_dim3A_229 = arith.constant 0 : i32
    %broadcast_in_dim3A_230 = vector.broadcast %broadcast_in_dim3A_229 : i32 to vector<1x1xi32>
    %slice3A_231 = vector.extract_strided_slice %broadcast_in_dim3A_228 {offsets = [0, 0], sizes = [255, 1], strides = [1, 1]} : vector<256x1xi32> to vector<255x1xi32>
    %concatenate3A_232 = tpu.concatenate %broadcast_in_dim3A_230, %slice3A_231 in 0 : vector<1x1xi32>, vector<255x1xi32> -> vector<256x1xi32>
    %add3A_233 = arith.addi %broadcast_in_dim3A_228, %concatenate3A_232 : vector<256x1xi32>
    %broadcast_in_dim3A_234 = arith.constant 0 : i32
    %broadcast_in_dim3A_235 = vector.broadcast %broadcast_in_dim3A_234 : i32 to vector<2x1xi32>
    %slice3A_236 = vector.extract_strided_slice %add3A_233 {offsets = [0, 0], sizes = [254, 1], strides = [1, 1]} : vector<256x1xi32> to vector<254x1xi32>
    %concatenate3A_237 = tpu.concatenate %broadcast_in_dim3A_235, %slice3A_236 in 0 : vector<2x1xi32>, vector<254x1xi32> -> vector<256x1xi32>
    %add3A_238 = arith.addi %add3A_233, %concatenate3A_237 : vector<256x1xi32>
    %broadcast_in_dim3A_239 = arith.constant 0 : i32
    %broadcast_in_dim3A_240 = vector.broadcast %broadcast_in_dim3A_239 : i32 to vector<4x1xi32>
    %slice3A_241 = vector.extract_strided_slice %add3A_238 {offsets = [0, 0], sizes = [252, 1], strides = [1, 1]} : vector<256x1xi32> to vector<252x1xi32>
    %concatenate3A_242 = tpu.concatenate %broadcast_in_dim3A_240, %slice3A_241 in 0 : vector<4x1xi32>, vector<252x1xi32> -> vector<256x1xi32>
    %add3A_243 = arith.addi %add3A_238, %concatenate3A_242 : vector<256x1xi32>
    %broadcast_in_dim3A_244 = arith.constant 0 : i32
    %broadcast_in_dim3A_245 = vector.broadcast %broadcast_in_dim3A_244 : i32 to vector<8x1xi32>
    %slice3A_246 = vector.extract_strided_slice %add3A_243 {offsets = [0, 0], sizes = [248, 1], strides = [1, 1]} : vector<256x1xi32> to vector<248x1xi32>
    %concatenate3A_247 = tpu.concatenate %broadcast_in_dim3A_245, %slice3A_246 in 0 : vector<8x1xi32>, vector<248x1xi32> -> vector<256x1xi32>
    %add3A_248 = arith.addi %add3A_243, %concatenate3A_247 : vector<256x1xi32>
    %broadcast_in_dim3A_249 = arith.constant 0 : i32
    %broadcast_in_dim3A_250 = vector.broadcast %broadcast_in_dim3A_249 : i32 to vector<16x1xi32>
    %slice3A_251 = vector.extract_strided_slice %add3A_248 {offsets = [0, 0], sizes = [240, 1], strides = [1, 1]} : vector<256x1xi32> to vector<240x1xi32>
    %concatenate3A_252 = tpu.concatenate %broadcast_in_dim3A_250, %slice3A_251 in 0 : vector<16x1xi32>, vector<240x1xi32> -> vector<256x1xi32>
    %add3A_253 = arith.addi %add3A_248, %concatenate3A_252 : vector<256x1xi32>
    %broadcast_in_dim3A_254 = arith.constant 0 : i32
    %broadcast_in_dim3A_255 = vector.broadcast %broadcast_in_dim3A_254 : i32 to vector<32x1xi32>
    %slice3A_256 = vector.extract_strided_slice %add3A_253 {offsets = [0, 0], sizes = [224, 1], strides = [1, 1]} : vector<256x1xi32> to vector<224x1xi32>
    %concatenate3A_257 = tpu.concatenate %broadcast_in_dim3A_255, %slice3A_256 in 0 : vector<32x1xi32>, vector<224x1xi32> -> vector<256x1xi32>
    %add3A_258 = arith.addi %add3A_253, %concatenate3A_257 : vector<256x1xi32>
    %broadcast_in_dim3A_259 = arith.constant 0 : i32
    %broadcast_in_dim3A_260 = vector.broadcast %broadcast_in_dim3A_259 : i32 to vector<64x1xi32>
    %slice3A_261 = vector.extract_strided_slice %add3A_258 {offsets = [0, 0], sizes = [192, 1], strides = [1, 1]} : vector<256x1xi32> to vector<192x1xi32>
    %concatenate3A_262 = tpu.concatenate %broadcast_in_dim3A_260, %slice3A_261 in 0 : vector<64x1xi32>, vector<192x1xi32> -> vector<256x1xi32>
    %add3A_263 = arith.addi %add3A_258, %concatenate3A_262 : vector<256x1xi32>
    %broadcast_in_dim3A_264 = arith.constant 0 : i32
    %broadcast_in_dim3A_265 = vector.broadcast %broadcast_in_dim3A_264 : i32 to vector<128x1xi32>
    %slice3A_266 = vector.extract_strided_slice %add3A_263 {offsets = [0, 0], sizes = [128, 1], strides = [1, 1]} : vector<256x1xi32> to vector<128x1xi32>
    %concatenate3A_267 = tpu.concatenate %broadcast_in_dim3A_265, %slice3A_266 in 0 : vector<128x1xi32>, vector<128x1xi32> -> vector<256x1xi32>
    %add3A_268 = arith.addi %add3A_263, %concatenate3A_267 : vector<256x1xi32>
    %sub3A_269 = arith.subi %add3A_268, %broadcast_in_dim3A_228 : vector<256x1xi32>
    %get3A_270 = arith.constant 0 : index
    %get3A_271 = arith.constant 0 : index
    %get3A_272 = vector.load %arg9[%get3A_270, %get3A_271] : memref<1x1xi32, #tpu.memory_space<vmem>>, vector<1x1xi32>
    %get3A_273 = vector.extract %get3A_272[0, 0] : i32 from vector<1x1xi32>
    %add3A_274 = vector.broadcast %get3A_273 : i32 to vector<256x1xi32>
    %add3A_275 = arith.addi %add3A_274, %sub3A_269 : vector<256x1xi32>
    %add3A_276 = vector.broadcast %add3A_275 : vector<256x1xi32> to vector<256x2048xi32>
    %add3A_277 = arith.addi %add3A_276, %sub3A_225 : vector<256x2048xi32>
    %lt3A_278 = vector.broadcast %get3A_162 : i32 to vector<256x2048xi32>
    %lt3A_279 = arith.cmpi slt, %select_n3A_158, %lt3A_278 : vector<256x2048xi32>
    %gt3A_280 = arith.constant 0 : i32
    %gt3A_281 = vector.broadcast %gt3A_280 : i32 to vector<256x2048xi32>
    %gt3A_282 = arith.cmpi sgt, %convert_element_type3A_169, %gt3A_281 : vector<256x2048xi32>
    %lt3A_283 = vector.broadcast %get3A_166 : i32 to vector<256x2048xi32>
    %lt3A_284 = arith.cmpi slt, %add3A_277, %lt3A_283 : vector<256x2048xi32>
    %and3A_285 = arith.andi %gt3A_282, %lt3A_284 : vector<256x2048xi1>
    %or3A_286 = arith.ori %lt3A_279, %and3A_285 : vector<256x2048xi1>
    %get3A_287 = arith.constant 0 : index
    %get3A_288 = arith.constant 0 : index
    %get3A_289 = vector.load %arg9[%get3A_287, %get3A_288] : memref<1x1xi32, #tpu.memory_space<vmem>>, vector<1x1xi32>
    %reduce_sum3A_290 = vector.shape_cast %convert_element_type3A_169 : vector<256x2048xi32> to vector<1x256x2048xi32>
    %reduce_sum3A_291 = arith.constant dense<0> : vector<1xi32>
    %reduce_sum3A_292 = vector.multi_reduction <add>, %reduce_sum3A_290, %reduce_sum3A_291 [1, 2] : vector<1x256x2048xi32> to vector<1xi32>
    %reduce_sum3A_293 = vector.shape_cast %reduce_sum3A_292 : vector<1xi32> to vector<1x1x1xi32>
    %reduce_sum3A_294 = vector.extract %reduce_sum3A_293[0, 0, 0] : i32 from vector<1x1x1xi32>
    %add3A_295 = vector.broadcast %reduce_sum3A_294 : i32 to vector<1x1xi32>
    %add3A_296 = arith.addi %get3A_289, %add3A_295 : vector<1x1xi32>
    %swap3A_297 = arith.constant 0 : index
    %swap3A_298 = arith.constant 0 : index
    %swap3A_299 = vector.load %arg9[%swap3A_297, %swap3A_298] : memref<1x1xi32, #tpu.memory_space<vmem>>, vector<1x1xi32>
    tpu.vector_store %arg9[%swap3A_297, %swap3A_298], %add3A_296 {strides = array<i32>} : memref<1x1xi32, #tpu.memory_space<vmem>>, vector<1x1xi32>,
    %jit3A = arith.constant 0.000000e+00 : f32
    %broadcast_in_dim3A_300 = vector.broadcast %jit3A : f32 to vector<256x2048xf32>
    %select_n3A_301 = arith.select %or3A_286, %broadcast_in_dim3A_300, %get3A_3 : vector<256x2048xi1>, vector<256x2048xf32>
    %jit3A_302 = arith.constant 1.000000e+00 : f32
    %broadcast_in_dim3A_303 = vector.broadcast %jit3A_302 : f32 to vector<256x2048xf32>
    %select_n3A_304 = arith.select %or3A, %broadcast_in_dim3A_303, %select_n3A_301 : vector<256x2048xi1>, vector<256x2048xf32>
    %jit3A_305 = arith.constant 0.000000e+00 : f32
    %broadcast_in_dim3A_306 = vector.broadcast %jit3A_305 : f32 to vector<256x2048xf32>
    %select_n3A_307 = arith.select %gt3A, %select_n3A_304, %broadcast_in_dim3A_306 : vector<256x2048xi1>, vector<256x2048xf32>
    %swap3A_308 = arith.constant 0 : index
    %swap3A_309 = arith.constant 0 : index
    %swap3A_310 = vector.load %arg8[%swap3A_308, %swap3A_309] : memref<256x2048xf32, #tpu.memory_space<vmem>>, vector<256x2048xf32>
    tpu.vector_store %arg8[%swap3A_308, %swap3A_309], %select_n3A_307 {strides = array<i32>} : memref<256x2048xf32, #tpu.memory_space<vmem>>, vector<256x2048xf32>,
    return
  }
  func.func @transform_0(%arg0: i32) -> (i32, i32) {
    %c0_i32 = arith.constant 0 : i32
    %c0_i32_0 = arith.constant 0 : i32
    return %arg0, %c0_i32 : i32, i32
  }
  func.func @transform_1(%arg0: i32) -> (i32, i32) {
    %c0_i32 = arith.constant 0 : i32
    %c0_i32_0 = arith.constant 0 : i32
    return %arg0, %c0_i32 : i32, i32
  }
  func.func @transform_2(%arg0: i32) -> (i32, i32) {
    %c0_i32 = arith.constant 0 : i32
    %c0_i32_0 = arith.constant 0 : i32
    return %arg0, %c0_i32 : i32, i32
  }
  func.func @transform_3(%arg0: i32) -> (i32, i32) {
    %c0_i32 = arith.constant 0 : i32
    %c0_i32_0 = arith.constant 0 : i32
    %c0_i32_1 = arith.constant 0 : i32
    return %c0_i32, %c0_i32_0 : i32, i32
  }
  func.func @transform_4(%arg0: i32) -> (i32, i32) {
    %c0_i32 = arith.constant 0 : i32
    %c0_i32_0 = arith.constant 0 : i32
    %c0_i32_1 = arith.constant 0 : i32
    return %c0_i32, %c0_i32_0 : i32, i32
  }
  func.func @transform_5(%arg0: i32) -> (i32, i32) {
    %c0_i32 = arith.constant 0 : i32
    %c0_i32_0 = arith.constant 0 : i32
    %c0_i32_1 = arith.constant 0 : i32
    return %c0_i32, %c0_i32_0 : i32, i32
  }
  func.func @transform_6(%arg0: i32) -> (i32, i32) {
    %c0_i32 = arith.constant 0 : i32
    %c0_i32_0 = arith.constant 0 : i32
    %c0_i32_1 = arith.constant 0 : i32
    return %c0_i32, %c0_i32_0 : i32, i32
  }
  func.func @transform_7(%arg0: i32) -> (i32, i32) {
    %c0_i32 = arith.constant 0 : i32
    %c0_i32_0 = arith.constant 0 : i32
    return %arg0, %c0_i32 : i32, i32
  }
  func.func @transform_8(%arg0: i32) -> (i32, i32) {
    %c0_i32 = arith.constant 0 : i32
    %c0_i32_0 = arith.constant 0 : i32
    %c0_i32_1 = arith.constant 0 : i32
    return %c0_i32, %c0_i32_0 : i32, i32
  }
  func.func @transform_9(%arg0: i32) -> (i32, i32) {
    %c0_i32 = arith.constant 0 : i32
    %c0_i32_0 = arith.constant 0 : i32
    %c0_i32_1 = arith.constant 0 : i32
    return %c0_i32, %c0_i32_0 : i32, i32
  }
}

</mosaic_0001>

<sc_bundles>
// kernel: gather_offload_async_start
scs
__scs_entry_jumppad:
0x0: {  	(pc) =	sbr.rel $0x88, $3  }
0x1: {  	(tag) =	ssettag $0x0;
	lr =	simm.s32 $0x1  }
0x2: {  	[smem:$0x3F9C] =	sst lr;
	_ =	strace $0xD0000000  }
0x3: {  	_ = 	snop  }
0x4: {  	_ = 	snop  }
0x5: {  	_ = 	snop  }
0x6: {  	_ = 	snop  }
0x7: {  	_ = 	snop  }
__scs_overlays_trampoline_lowered:
0x8: {  	[smem:$0x3FAB] =	sst s0  }
0x9: {  	[smem:$0x3FAC] =	sst s1  }
0xa: {  	[smem:$0x3FAD] =	sst s2  }
0xb: {  	[smem:$0x3FAE] =	sst s3  }
0xc: {  	[smem:$0x3FAF] =	sst s4  }
0xd: {  	[smem:$0x3FB0] =	sst s5  }
0xe: {  	[smem:$0x3FB1] =	sst s6  }
0xf: {  	[smem:$0x3FB2] =	sst s7  }
0x10: {  	[smem:$0x3FB3] =	sst s8  }
0x11: {  	[smem:$0x3FB4] =	sst s9;
	s0 =	simm.s32 @!p0 $0x0  }
0x12: {  	s1 =	sld [smem:$0x3F9A];
	s0 =	simm.s32 @p0 $0x1  }
0x13: {  	[smem:$0x3FB5] =	sst s0;
	s0 =	simm.s32 @!p1 $0x0  }
0x14: {  	s2 =	sld [smem:$0x3F99];
	s0 =	simm.s32 @p1 $0x1  }
0x15: {  	[smem:$0x3FB6] =	sst s0;
	s0 =	simm.s32 @!p2 $0x0  }
0x16: {  	s3 =	sld [smem:$0x3FDB];
	s0 =	simm.s32 @p2 $0x1  }
0x17: {  	s4 =	simm.s32 $0x1BF5;
	[smem:$0x3FB8] =	sst s0  }
0x18: {  	s0 =	sld [smem:$0x3F9B];
	_ =	swait.ge [sflag:s4], $0x0  }
0x19: {  	s7 =	sld [smem:$0x3F9C]  }
0x1a: {  	s8 =	sadd.s32 $0xFFFFE003, lr  }
0x1b: {  	s9 =	sadd.s32 $0xFFFFFEF7, lr;
	s5 =	simm.s32 $0xFFFFFFFF;
	p2 =	slt.u32 s8, $0xFFFFF086  }
0x1c: {  	p1 =	slt.u32 s9, $0xF7A;
	s5 =	simm.s32 @!p2 $0x0  }
0x1d: {  	s5 =	simm.s32 @p1 $0x1;
	p0 =	seq.s32 s7, s2  }
0x1e: {  	s7 =	smul.u32 @!p0 $0xF7A, s2;
	p2 =	seq.s32 @!p0 s5, $0x0  }
0x1f: {  	s9 =	smul.u32 $0xF7A, s1;
	s8 =	simm.s32 @!p0 $0x1BF5;
	p2 =	por !p2, p0  }
0x20: {  	[sflag:s8] =	ssyncset.s32 @!p0 $0xFFFFF086;
	s6 =	sadd.s32 @!p0 s3, s7;
	s7 =	simm.s32 @!p0 $0x108  }
0x21: {  	s3 =	sadd.s32 s3, s9;
	s6 =	sadd.s32 @!p0 $0x88, s6;
	s7 =	simm.s32 @p2 $0x1082  }
0x22: {  	[simem:s7], [sflag:s8] =	dma.local @!p0 [hbm:s6], $0xF7A  }
0x23: {  	s9 =	sor.u32 $0xD0000000, s2;
	s6 =	simm.s32 $0x108;
	_ =	swait.ge @!p0 [sflag:s8], $0x0  }
0x24: {  	s3 =	sadd.s32 $0x88, s3;
	s6 =	simm.s32 @!p1 $0x1082;
	[sflag:s4] =	ssyncset.s32 $0xFFFFF086  }
0x25: {  	[simem:s6], [sflag:s4] =	dma.local [hbm:s3], $0xF7A  }
0x26: {  	[smem:$0x3F9C] =	sst s1;
	(tag) =	ssettag s2;
	_ =	strace s9  }
0x27: {  	s1 =	sld [smem:$0x3FAC]  }
0x28: {  	s2 =	sld [smem:$0x3FAD]  }
0x29: {  	s4 =	sld [smem:$0x3FAF]  }
0x2a: {  	p0 =	seq.s32 s5, $0x0;
	s5 =	sld [smem:$0x3FB0]  }
0x2b: {  	s6 =	sld [smem:$0x3FB1]  }
0x2c: {  	s7 =	sld [smem:$0x3FB2]  }
0x2d: {  	s3 =	simm.s32 $0x108;
	s8 =	sld [smem:$0x3FB3]  }
0x2e: {  	s3 =	simm.s32 @!p0 $0x1082;
	s9 =	sld [smem:$0x3FB4]  }
0x2f: {  	lr =	sadd.s32 s0, s3;
	s0 =	sld [smem:$0x3FAB]  }
0x30: {  	s3 =	sld [smem:$0x3FAE]  }
0x31: {  	[smem:$0x3FB7] =	sst s10  }
0x32: {  	s10 =	sld [smem:$0x3FB5];
	_ =	sdelay $0x3  }
0x33: {  	p0 =	seq.s32 s10, $0x1;
	s10 =	sld [smem:$0x3FB7];
	_ =	sdelay $0x3  }
0x34: {  	[smem:$0x3FB7] =	sst s10  }
0x35: {  	s10 =	sld [smem:$0x3FB6];
	_ =	sdelay $0x3  }
0x36: {  	p1 =	seq.s32 s10, $0x1;
	s10 =	sld [smem:$0x3FB7];
	_ =	sdelay $0x3  }
0x37: {  	[smem:$0x3FB7] =	sst s10  }
0x38: {  	s10 =	sld [smem:$0x3FB8]  }
0x39: {  	_ = 	snop;
	(pc) =	sbr.ind lr, $3  }
0x3a: {  	_ = 	snop  }
0x3b: {  	_ = 	snop  }
0x3c: {  	p2 =	seq.s32 s10, $0x1;
	s10 =	sld [smem:$0x3FB7]  }
0x3d: {  	_ =	shalt  }
0x3e: {  	_ =	shalt  }
0x3f: {  	_ =	shalt  }
0x40: {  	_ =	shalt  }
0x41: {  	_ =	shalt  }
0x42: {  	_ =	shalt  }
0x43: {  	_ =	shalt  }
0x44: {  	_ =	shalt  }
0x45: {  	_ =	shalt  }
0x46: {  	_ =	shalt  }
0x47: {  	_ =	shalt  }
0x48: {  	_ =	shalt  }
0x49: {  	_ =	shalt  }
0x4a: {  	_ =	shalt  }
0x4b: {  	_ =	shalt  }
0x4c: {  	_ =	shalt  }
0x4d: {  	_ =	shalt  }
0x4e: {  	_ =	shalt  }
0x4f: {  	_ =	shalt  }
0x50: {  	_ =	shalt  }
0x51: {  	_ =	shalt  }
0x52: {  	_ =	shalt  }
0x53: {  	_ =	shalt  }
0x54: {  	_ =	shalt  }
0x55: {  	_ =	shalt  }
0x56: {  	_ =	shalt  }
0x57: {  	_ =	shalt  }
0x58: {  	_ =	shalt  }
0x59: {  	_ =	shalt  }
0x5a: {  	_ =	shalt  }
0x5b: {  	_ =	shalt  }
0x5c: {  	_ =	shalt  }
0x5d: {  	_ =	shalt  }
0x5e: {  	_ =	shalt  }
0x5f: {  	_ =	shalt  }
0x60: {  	_ =	shalt  }
0x61: {  	_ =	shalt  }
0x62: {  	_ =	shalt  }
0x63: {  	_ =	shalt  }
0x64: {  	_ =	shalt  }
0x65: {  	_ =	shalt  }
0x66: {  	_ =	shalt  }
0x67: {  	_ =	shalt  }
0x68: {  	_ =	shalt  }
0x69: {  	_ =	shalt  }
0x6a: {  	_ =	shalt  }
0x6b: {  	_ =	shalt  }
0x6c: {  	_ =	shalt  }
0x6d: {  	_ =	shalt  }
0x6e: {  	_ =	shalt  }
0x6f: {  	_ =	shalt  }
0x70: {  	_ =	shalt  }
0x71: {  	_ =	shalt  }
0x72: {  	_ =	shalt  }
0x73: {  	_ =	shalt  }
0x74: {  	_ =	shalt  }
0x75: {  	_ =	shalt  }
0x76: {  	_ =	shalt  }
0x77: {  	_ =	shalt  }
0x78: {  	_ =	shalt  }
0x79: {  	_ =	shalt  }
0x7a: {  	_ =	shalt  }
0x7b: {  	_ =	shalt  }
0x7c: {  	_ =	shalt  }
0x7d: {  	_ =	shalt  }
0x7e: {  	_ =	shalt  }
0x7f: {  	_ =	shalt  }
0x80: {  	_ =	shalt  }
0x81: {  	_ =	shalt  }
0x82: {  	_ =	shalt  }
0x83: {  	_ =	shalt  }
0x84: {  	_ =	shalt  }
0x85: {  	_ =	shalt  }
0x86: {  	_ =	shalt  }
0x87: {  	_ =	shalt  }
.Lfunc_end0:
.L_simem_size_0:
called_computation_lowered:
.L_overlay_start_0:
0x88: {  	s2 =	sld [smem:$0x3FD9]  }
0x89: {  	s3 =	sld [smem:$0x3FFE];
	_ =	sdelay $0x1  }
0x8a: {  	s1 =	srdreg.scid  }
0x8b: {  	s0 =	sand.u32 $0x1, s1  }
0x8c: {  	s17 =	sshll.u32 s0, $0xA;
	s2 =	sadd.s32 s3, s2  }
0x8d: {  	s2 =	sadd.s32 s2, s17  }
0x8e: {  	[smem:$0x3FC3] =	sst s2  }
0x8f: {  	_ = 	snop  }
0x90: {  	s2 =	sld [smem:$0x3FC8];
	(tm) =	ssettm $0x1  }
0x91: {  	s18 =	sld [smem:$0x3FFB];
	_ =	sdelay $0x3  }
0x92: {  	_ =	strace s18  }
0x93: {  	s3 =	sld [smem:$0x3FFC];
	_ =	sdelay $0x3  }
0x94: {  	_ =	strace s3  }
0x95: {  	s3 =	sld [smem:$0x3FFD];
	_ =	sdelay $0x3  }
0x96: {  	_ =	strace s3  }
0x97: {  	_ =	strace $0x8FFFFFFF  }
0x98: {  	s19 =	sld [smem:$0x3FDB];
	_ =	sdelay $0x1  }
0x99: {  	s4 =	simm.s32 $_scs_section_size  }
0x9a: {  	s5 =	simm.s32 $_size__tile_overlayer_lowered;
	s6 =	simm.s32 $_tile_overlayer_lowered  }
0x9b: {  	s22 =	simm.s32 $0x1BFF;
	s21 =	sshll.u32 s6, $0x1;
	s3 =	sadd.s32 s4, s19  }
0x9c: {  	s7 =	simm.s32 $0x0;
	s20 =	sshll.u32 s5, $0x1;
	s5 =	sadd.s32 s21, s3  }
0x9d: {  	[timem:s7], [sflag:s22] =	dma.local [hbm:s5], s20  }
0x9e: {  	_ =	swait.ge [sflag:s22], s20  }
0x9f: {  	s4 =	ssub.s32 $0x0, s20;
	[sflag:s22] =	ssyncset.done $0x0  }
0xa0: {  	[sflag:s22] =	ssyncadd.s32 s4;
	_ =	sdelay $0x1  }
0xa1: {  	s23 =	simm.s32 $0x1B8B  }
0xa2: {  	_ =	swait.ge [sflag:s23], $0x1  }
0xa3: {  	[sflag:s23] =	ssyncset.done $0x0  }
0xa4: {  	s25 =	simm.s32 $0x1B8E;
	s24 =	sld [smem:$0x3FFE];
	[sflag:s23] =	ssyncadd.s32 $0xFFFFFFFF  }
0xa5: {  	s26 =	simm.s32 $execute0_lowered;
	[smem:$0x3FD2] =	sst s25  }
0xa6: {  	s5 =	sshll.u32 s26, $0x1;
	_ =	strace $0x80000046;
	[dreg:$0x1] =	wrdreg $0xFFFFFFFF  }
0xa7: {  	s28 =	simm.s32 $_size_execute0_lowered;
	s3 =	sadd.s32 s3, s5;
	[dreg:$0x0] =	wrdreg $0x0  }
0xa8: {  	s5 =	sshll.u32 s28, $0x1;
	[dreg:$0x2] =	wrdreg s3  }
0xa9: {  	[dreg:$0x3] =	wrdreg s5  }
0xaa: {  	[dreg:$0x4] =	wrdreg $0xC0  }
0xab: {  	_ =	task [dreg:s7], $0x5FFFF  }
0xac: {  	[dreg:$0x1] =	wrdreg $0xFFFFFFFF  }
0xad: {  	[dreg:$0x0] =	wrdreg $0x60  }
0xae: {  	[dreg:$0x2] =	wrdreg s2  }
0xaf: {  	[dreg:$0x3] =	wrdreg s24  }
0xb0: {  	[dreg:$0x4] =	wrdreg $0x9  }
0xb1: {  	_ =	task.clear_ibuf [dreg:s7], $0x5FFFF;
	_ =	strace $0x90000046  }
0xb2: {  	s29 =	simm.s32 $0x9;
	_ =	strace $0x80000048  }
0xb3: {  	_ =	swait.ge [sflag:s29], $0x1  }
0xb4: {  	[sflag:s29] =	ssyncadd.s32 $0xFFFFFFFF  }
0xb5: {  	_ =	strace $0x90000048  }
0xb6: {  	_ =	sfence  }
0xb7: {  	s30 =	sld [smem:$0x0];
	_ =	sdelay $0x2  }
0xb8: {  	s31 =	sshll.u32 s1, $0xD;
	s1 =	sshrl.u32 s1, $0x2  }
0xb9: {  	s3 =	sand.u32 $0x4000, s31;
	s1 =	sadd.s32 s1, s30  }
0xba: {  	s0 =	sor.u32 s3, s0;
	s1 =	sshll.u32 s1, $0x11  }
0xbb: {  	s0 =	sor.u32 s1, s0  }
0xbc: {  	s0 =	sadd.s32 $0x8F2B, s0  }
0xbd: {  	[sflag:s0] =	ssyncadd.remote.s32 $0x1  }
0xbe: {  	_ =	sfence.sel $0xFFFF  }
0xbf: {  	[dreg:$0x0] =	wrdreg $0xFFFFFFFF;
	(pc) =	sbr.abs _section_cstart, $3  }
0xc0: {  	[dreg:$0x1] =	wrdreg $0xFFFFFFFF  }
0xc1: {  	_ =	task.clear_ibuf [dreg:s7], $0x2FFFF;
	_ =	strace $0x9FFFFFFF  }
0xc2: {  	(tm) =	ssettm $0x7FFFFFFF  }
0xc3: {  	_ =	shalt  }
tec
execute0_lowered:
.L_overlay_start_1:
0x0: {  	(tag) =	ssettag $0x1  }
0x1: {  	s1 =	srdreg.scid;
	s2 =	rddreg [dreg:$0x0]  }
0x2: {  	s0 =	stileid.u32;
	s8 =	rddreg [dreg:$0x1]  }
0x3: {  	s5 =	simm.s32 $0x1;
	s9 =	simm.s32 $0x1;
	s1 =	sshll.u32 s1, $0x5  }
0x4: {  	s10 =	simm.s32 $0x3;
	s3 =	sshll.u32 s0, $0x6;
	s4 =	sand.u32 $0x20, s1  }
0x5: {  	s13 =	simm.s32 $0x0;
	s12 =	simm.s32 $0x0;
	s3 =	sor.u32 s3, s4  }
0x6: {  	s1 =	rddreg [dreg:$0x2];
	_ =	strace $0x80000047;
	s7 =	ssub.s32 $0x800, s3  }
.Ltmp0:
0x7: {  	s4 =	sadd.s32 $0x1400, s8;
	s6 =	sand.u32 $0x3E0, s7;
	(pc) =	sbr.rel .LBB2_1-.Ltmp0, $4  }
0x8: {  	[sflag:s5] =	ssyncpa.u1 $0x0;
	s8 =	sadd.s32 $0x1600, s8;
	p0 =	sne.s32 s6, $0x0  }
0x9: {  	s7 =	sshrl.u32 s7, $0xA;
	s6 =	simm.s32 $0x2;
	s9 =	simm.s32 @!p0 $0x0  }
0xa: {  	s11 =	smov.u32 s3;
	[sflag:s6] =	ssyncpa.u1 $0x0;
	s7 =	sadd.s32 s9, s7  }
0xb: {  	vm0 =	vmmov $0xffff;
	[sflag:s10] =	ssyncpa.u1 $0x0;
	s10 =	simm.s32 $0x0;
	s9 =	sadd.s32 $0x1, s7  }
.LBB2_5:
0xc: {  	s15 =	sadd.s32 $0x400, s11  }
0xd: {  	p1 =	sgt.s32 s15, $0x7FF  }
0xe: {  	s15 =	smov.u32 @p1 s3;
	p1 =	sne.s32 s12, s9  }
.Ltmp1:
0xf: {  	p0 =	slt.u32 s12, $0x2;
	(pc) =	sbr.rel @!p1 .LBB2_6-.Ltmp1, $4  }
0x10: {  	s14 =	simm.s32 @!p0 $0x3  }
0x11: {  	_ =	swait.ge @!p0 [sflag:s14], $0x20  }
0x12: {  	s16 =	sadd.s32 $0x1, s12;
	s13 =	smov.u32 s11;
	[sflag:s14] =	ssyncset.done @!p0 $0x0  }
0x13: {  	s12 =	smov.u32 s16;
	s11 =	smov.u32 s15;
	[sflag:s14] =	ssyncadd.s32 @!p0 $0xFFFFFFE0  }
.LBB2_1:
0x14: {  	p0 =	sge.u32 s12, s7  }
0x15: {  	s14 =	sxor.u32 @!p0 $0xFFFFFFFF, s12  }
0x16: {  	s31 =	sadd.s32 $0xFFFFFFFF, s12;
	s15 =	sshrl.u32 @!p0 s11, $0x3;
	s14 =	sshll.u32 @!p0 s14, $0x5  }
0x17: {  	s16 =	sand.u32 @!p0 $0x7, s11;
	s15 =	sadd.s32 @!p0 s4, s15;
	s14 =	sand.u32 @!p0 $0x20, s14  }
0x18: {  	[tilespmem:s14], [sflag:$0x2] =	stream.linear.gather @!p0 [hbm4b:s15+s16], $0x20, $0x38;
	[tilespmem:$0x80] =	vst v63  }
0x19: {  	p0 =	sge.u32 s31, s7  }
.Ltmp2:
0x1a: {  	_ = 	snop;
	(pc) =	sbr.rel @p0 .LBB2_5-.Ltmp2, $1  }
0x1b: {  	_ =	sdelay $0x3  }
0x1c: {  	_ =	swait.ge [sflag:s6], $0x20;
	s14 =	sshll.u32 s12, $0x5;
	s16 =	simm.s32 $0x0  }
0x1d: {  	p0 =	por $0x1, $0x1;
	[sflag:s6] =	ssyncset.done $0x0;
	s15 =	sand.u32 $0x20, s14  }
0x1e: {  	[sflag:s6] =	ssyncadd.s32 $0xFFFFFFE0;
	(ifvalue) =	ssetifvalue $0x7FFFFFFF;
	s14 =	sor.u32 $0x40, s15  }
.LBB2_3:
0x1f: {  	s17 =	sadd.s32 s16, s15  }
0x20: {  	v0 =	vld.msk [tilespmem:s17+$0x0 ss:$0x1], $0xffff;
	_ =	sdelay $0x4  }
0x21: {  	v1 =	vshrl.u32 v0, $0xB  }
0x22: {  	vm1 =	veq.s32 v0, $0x80000000;
	v0 =	vand.u32 $0x7FF, v0;
	v1 =	vand.u32 $0x7FF, v1  }
0x23: {  	v0 =	vsel vm1, $0xFFFFFFFF, v0;
	v1 =	vsel vm1, $0xFFFFFFFF, v1  }
0x24: {  	v2 =	vshll.u32 v0, $0xB;
	v3 =	vshll.u32 v1, $0x3  }
0x25: {  	v0 =	vshll.u32 v0, $0x7;
	v2 =	vand.u32 $0xFFFFC000, v2;
	v3 =	vand.u32 $0xFFFFFC00, v3  }
0x26: {  	v0 =	vand.u32 $0x380, v0;
	v2 =	vadd.s32 v2, v3  }
0x27: {  	v1 =	vand.u32 $0x7F, v1;
	v0 =	vor.u32 v0, v2  }
0x28: {  	p1 =	por p0, p0;
	v0 =	vor.u32 v1, v0  }
.Ltmp3:
0x29: {  	_ = 	snop;
	(pc) =	sbr.rel @p1 .LBB2_3-.Ltmp3, $4  }
0x2a: {  	_ = 	snop  }
0x2b: {  	s31 =	sadd.s32 s16, s14  }
0x2c: {  	s16 =	simm.s32 $0x10;
	p0 =	por $0x0, $0x0;
	(ifvalue) =	ssetifvalue $0x7FFFFFFF  }
0x2d: {  	[tilespmem:s31], [sflag:$0x1] =	stream.indirect_vreg.gather [hbm4b:s2+s10], $0x1, v0, vm0, $0x4038;
	[tilespmem:$0x80] =	vst v63  }
.Ltmp4:
0x2e: {  	(pc) =	sbr.rel .LBB2_5-.Ltmp4, $4  }
0x2f: {  	_ =	swait.ge [sflag:s5], $0x20  }
0x30: {  	s15 =	sshrl.u32 s13, $0x3;
	[sflag:s5] =	ssyncset.done $0x0  }
0x31: {  	s31 =	sand.u32 $0x7, s13;
	s15 =	sadd.s32 s8, s15;
	[sflag:s5] =	ssyncadd.s32 $0xFFFFFFE0  }
0x32: {  	[hbm4b:s15+s31] =	stream.linear.scatter [tilespmem:s14], [sflag:$0x3], $0x20, $0x38;
	[tilespmem:$0x80] =	vst v63  }
.LBB2_6:
0x33: {  	_ =	sfence.sel $0x180000  }
0x34: {  	s2 =	simm.s32 $0x2;
	[bflag:$0x0] =	sbarrier.arrive $0xFFFF  }
0x35: {  	s30 =	simm.s32 $0x3;
	[sflag:s2] =	ssyncpa.u1 $0x1  }
0x36: {  	s31 =	simm.s32 $0x1;
	[sflag:s30] =	ssyncpa.u1 $0x1  }
0x37: {  	[sflag:s31] =	ssyncpa.u1 $0x1  }
0x38: {  	p0 =	sne.s32 s0, $0x0;
	_ =	strace $0x90000047  }
0x39: {  	s0 =	sadd.s32 @!p0 $0x100000, s1;
	[bflag:$0x2] =	sbarrier.arrive $0xFFFF  }
0x3a: {  	[sflag:s0] =	ssyncadd.tile.s32 @!p0 $0x1;
	_ =	shalt  }
.Lfunc_end2:
_tile_overlayer_lowered:
.L_overlay_start_2:
0x3b: {  	(tag) =	ssettag $0x2  }
0x3c: {  	s0 =	rddreg [dreg:$0x0];
	s2 =	stileid.u32  }
0x3d: {  	s1 =	rddreg [dreg:$0x1];
	p0 =	sne.s32 s2, $0x0  }
0x3e: {  	s3 =	rddreg [dreg:$0x2];
	[bflag:$0x3] =	sbarrier.arrive $0xFFFF;
	s2 =	simm.s32 @!p0 $0x1C01  }
0x3f: {  	[timem:s3], [sflag:s2] =	dma.local @!p0 [hbm:s0], s1  }
0x40: {  	s0 =	simm.s32 @!p0 $0x1  }
0x41: {  	_ =	swait.ge @!p0 [sflag:s0], s1  }
0x42: {  	s1 =	ssub.s32 @!p0 $0x0, s1;
	[sflag:s0] =	ssyncset.done @!p0 $0x0  }
0x43: {  	[sflag:s0] =	ssyncadd.s32 @!p0 s1  }
0x44: {  	[bflag:$0x3] =	sbarrier.arrive $0xFFFF  }
0x45: {  	_ =	shalt  }

</sc_bundles>
